<compile_context>
chip_gen: v7x
topology: tpu7x:2x2x1
jax: 0.10.2.dev20260603
libtpu: 0.0.44.dev20260713+nightly
codegen_flags: <defaults>
</compile_context>

<pallas_src>
import jax
import jax.numpy as jnp
from jax import lax
from jax.experimental import pallas as pl
from jax.experimental.pallas import tpu as pltpu
from jax.experimental.pallas import tpu_sc as plsc

VOCAB = 100000
D = 128
B = 16384
NC = 2
NS = 16
NW = NC * NS
BW = B // NW
C = 128
NCHUNK = BW // C


def _glove_body(i_hbm, j_hbm, wi_hbm, wj_hbm, bi_hbm, bj_hbm, out_hbm,
                idx_i, idx_j, ri0, ri1, rj0, rj1, bi_v, bj_v, out_v,
                sem0, sem1, sem_bias):
    wid = lax.axis_index("s") * NC + lax.axis_index("c")
    base = wid * BW

    ca = pltpu.async_copy(i_hbm.at[pl.ds(base, BW)], idx_i, sem0)
    cb = pltpu.async_copy(j_hbm.at[pl.ds(base, BW)], idx_j, sem1)
    ca.wait()
    cb.wait()

    ri = (ri0, ri1)
    rj = (rj0, rj1)
    sems = (sem0, sem1)

    def fire(c):
        b = c % 2
        return (
            pltpu.async_copy(wi_hbm.at[idx_i.at[pl.ds(c * C, C)]], ri[b],
                             sems[b]),
            pltpu.async_copy(wj_hbm.at[idx_j.at[pl.ds(c * C, C)]], rj[b],
                             sems[b]),
        )

    inflight = fire(0)

    cb_i = pltpu.async_copy(bi_hbm.at[idx_i], bi_v, sem_bias)
    cb_j = pltpu.async_copy(bj_hbm.at[idx_j], bj_v, sem_bias)

    cb_i.wait()
    cb_j.wait()

    def bias_body(g, _):
        sl = pl.ds(g * 16, 16)
        out_v[sl] = bi_v[sl] + bj_v[sl]
        return 0

    lax.fori_loop(0, BW // 16, bias_body, 0)

    for c in range(NCHUNK):
        nxt = fire(c + 1) if c + 1 < NCHUNK else None
        ci, cj = inflight
        ci.wait()
        cj.wait()
        rows_i = ri[c % 2]
        rows_j = rj[c % 2]

        def row_body(r, _, c=c, rows_i=rows_i, rows_j=rows_j):
            acc0 = rows_i[r, pl.ds(0, 16)] * rows_j[r, pl.ds(0, 16)]
            acc1 = rows_i[r, pl.ds(16, 16)] * rows_j[r, pl.ds(16, 16)]
            for k in range(2, 8, 2):
                acc0 = acc0 + (rows_i[r, pl.ds(16 * k, 16)]
                               * rows_j[r, pl.ds(16 * k, 16)])
                acc1 = acc1 + (rows_i[r, pl.ds(16 * (k + 1), 16)]
                               * rows_j[r, pl.ds(16 * (k + 1), 16)])
            ridx = jnp.broadcast_to(c * C + r, (16,)).astype(jnp.int32)
            plsc.addupdate_scatter(out_v, [ridx], acc0 + acc1)
            return 0

        lax.fori_loop(0, C, row_body, 0)
        inflight = nxt

    pltpu.sync_copy(out_v, out_hbm.at[pl.ds(base, BW)])


@jax.jit
def _glove(i, j, wi, wj, bi, bj):
    mesh = plsc.VectorSubcoreMesh(core_axis_name="c", subcore_axis_name="s",
                                  num_cores=NC, num_subcores=NS)
    run = pl.kernel(
        _glove_body,
        out_type=jax.ShapeDtypeStruct((B,), jnp.float32),
        mesh=mesh,
        compiler_params=pltpu.CompilerParams(needs_layout_passes=False),
        scratch_types=[
            pltpu.VMEM((BW,), jnp.int32),
            pltpu.VMEM((BW,), jnp.int32),
            pltpu.VMEM((C, D), jnp.float32),
            pltpu.VMEM((C, D), jnp.float32),
            pltpu.VMEM((C, D), jnp.float32),
            pltpu.VMEM((C, D), jnp.float32),
            pltpu.VMEM((BW,), jnp.float32),
            pltpu.VMEM((BW,), jnp.float32),
            pltpu.VMEM((BW,), jnp.float32),
            pltpu.SemaphoreType.DMA,
            pltpu.SemaphoreType.DMA,
            pltpu.SemaphoreType.DMA,
        ],
    )
    return run(i, j, wi, wj, bi, bj)


def kernel(i, j, wi, wj, bi, bj):
    return _glove(i, j, wi, wj, bi.reshape(VOCAB), bj.reshape(VOCAB))

# --- scband reference (transcript-rebuilt; emitter-appended) ---
"""Pipeline reference for scband-glo-ve-model-1941325218239 (READ-ONLY COPY).

The authoritative reference and input builder live on the scoring server;
editing this copy changes nothing except your own understanding.
"""

import jax, jax.numpy as jnp
import numpy as np

VOCAB = 100000
D = 128
B = 16384

def setup_inputs(seed: int = 0) -> dict:
    key = jax.random.key(seed)
    k_i, k_j, k_wi, k_wj, k_bi, k_bj = jax.random.split(key, 6)
    i = jax.random.randint(k_i, (B,), 0, VOCAB, dtype=jnp.int64 if jax.config.jax_enable_x64 else jnp.int32).astype(jnp.int32)
    j = jax.random.randint(k_j, (B,), 0, VOCAB, dtype=jnp.int32)
    wi = jax.random.uniform(k_wi, (VOCAB, D), dtype=jnp.float32, minval=-0.5, maxval=0.5)
    wj = jax.random.uniform(k_wj, (VOCAB, D), dtype=jnp.float32, minval=-0.5, maxval=0.5)
    bi = jax.random.uniform(k_bi, (VOCAB, 1), dtype=jnp.float32, minval=-0.5, maxval=0.5)
    bj = jax.random.uniform(k_bj, (VOCAB, 1), dtype=jnp.float32, minval=-0.5, maxval=0.5)
    return {"i": i, "j": j, "wi": wi, "wj": wj, "bi": bi, "bj": bj}

def reference(i, j, wi, wj, bi, bj):
    wi_i = jnp.take(wi, i, axis=0)          # [B, D]
    wj_j = jnp.take(wj, j, axis=0)          # [B, D]
    dot_product = jnp.sum(wi_i * wj_j, axis=1)  # [B]
    bi_i = jnp.take(bi, i, axis=0).squeeze(-1)  # [B]
    bj_j = jnp.take(bj, j, axis=0).squeeze(-1)  # [B]
    return dot_product + bi_i + bj_j

if __name__ == "__main__":
    import jax
    _d = setup_inputs()
    print(jax.jit(kernel)(*tuple(_d.values())))

</pallas_src>

<mosaic_0001>
#map = affine_map<(d0, d1) -> (0)>
#map1 = affine_map<(d0, d1) -> (0, 0)>
module attributes {stable_mosaic.version = 14 : i64} {
  func.func @_glove_body(%arg0: i32, %arg1: i32, %arg2: memref<16384xi32, #tpu.memory_space<hbm>>, %arg3: memref<16384xi32, #tpu.memory_space<hbm>>, %arg4: memref<100000x128xf32, #tpu.memory_space<hbm>>, %arg5: memref<100000x128xf32, #tpu.memory_space<hbm>>, %arg6: memref<100000xf32, #tpu.memory_space<hbm>>, %arg7: memref<100000xf32, #tpu.memory_space<hbm>>, %arg8: memref<16384xf32, #tpu.memory_space<hbm>>, %arg9: memref<512xi32, #tpu.memory_space<vmem>>, %arg10: memref<512xi32, #tpu.memory_space<vmem>>, %arg11: memref<128x128xf32, #tpu.memory_space<vmem>>, %arg12: memref<128x128xf32, #tpu.memory_space<vmem>>, %arg13: memref<128x128xf32, #tpu.memory_space<vmem>>, %arg14: memref<128x128xf32, #tpu.memory_space<vmem>>, %arg15: memref<512xf32, #tpu.memory_space<vmem>>, %arg16: memref<512xf32, #tpu.memory_space<vmem>>, %arg17: memref<512xf32, #tpu.memory_space<vmem>>, %arg18: memref<!tpu.dma_semaphore, #tpu.memory_space<semaphore_mem>>, %arg19: memref<!tpu.dma_semaphore, #tpu.memory_space<semaphore_mem>>, %arg20: memref<!tpu.dma_semaphore, #tpu.memory_space<semaphore_mem>>) attributes {dimension_semantics = [#tpu.dimension_semantics<core_parallel>, #tpu.dimension_semantics<subcore_parallel>], iteration_bounds = array<i64: 2, 16>, scalar_prefetch = 0 : i64, scratch_operands = 12 : i64, tpu.core_type = #tpu.core_type<sc_vector_subcore>, window_params = [{transform_indices = #map}, {transform_indices = #map}, {transform_indices = #map1}, {transform_indices = #map1}, {transform_indices = #map}, {transform_indices = #map}, {transform_indices = #map}]} {
    %mul3A = arith.constant 2 : i32
    %mul3A_0 = arith.muli %arg1, %mul3A : i32
    %add3A = arith.addi %mul3A_0, %arg0 : i32
    %mul3A_1 = arith.constant 512 : i32
    %mul3A_2 = arith.muli %add3A, %mul3A_1 : i32
    %dma_start3A = tpu.memref_slice %arg2[%mul3A_2] : memref<16384xi32, #tpu.memory_space<hbm>> -> memref<512xi32, #tpu.memory_space<hbm>>
    %dma_start3A_3 = tpu.memref_slice %arg2[%mul3A_2] : memref<16384xi32, #tpu.memory_space<hbm>> -> memref<512xi32, #tpu.memory_space<hbm>>
    tpu.enqueue_dma source(%dma_start3A_3 : memref<512xi32, #tpu.memory_space<hbm>>) target(%arg9 : memref<512xi32, #tpu.memory_space<vmem>>) target_semaphore(%arg18 : memref<!tpu.dma_semaphore, #tpu.memory_space<semaphore_mem>>)
    %dma_start3A_4 = tpu.memref_slice %arg3[%mul3A_2] : memref<16384xi32, #tpu.memory_space<hbm>> -> memref<512xi32, #tpu.memory_space<hbm>>
    %dma_start3A_5 = tpu.memref_slice %arg3[%mul3A_2] : memref<16384xi32, #tpu.memory_space<hbm>> -> memref<512xi32, #tpu.memory_space<hbm>>
    tpu.enqueue_dma source(%dma_start3A_5 : memref<512xi32, #tpu.memory_space<hbm>>) target(%arg10 : memref<512xi32, #tpu.memory_space<vmem>>) target_semaphore(%arg19 : memref<!tpu.dma_semaphore, #tpu.memory_space<semaphore_mem>>)
    %dma_wait3A = tpu.memref_slice %arg2[%mul3A_2] : memref<16384xi32, #tpu.memory_space<hbm>> -> memref<512xi32, #tpu.memory_space<hbm>>
    %dma_wait3A_6 = tpu.memref_slice %arg2[%mul3A_2] : memref<16384xi32, #tpu.memory_space<hbm>> -> memref<512xi32, #tpu.memory_space<hbm>>
    tpu.wait_dma2 semaphore(%arg18 : memref<!tpu.dma_semaphore, #tpu.memory_space<semaphore_mem>>) src(%dma_wait3A_6 : memref<512xi32, #tpu.memory_space<hbm>>) dst(%arg9 : memref<512xi32, #tpu.memory_space<vmem>>)
    %dma_wait3A_7 = tpu.memref_slice %arg3[%mul3A_2] : memref<16384xi32, #tpu.memory_space<hbm>> -> memref<512xi32, #tpu.memory_space<hbm>>
    %dma_wait3A_8 = tpu.memref_slice %arg3[%mul3A_2] : memref<16384xi32, #tpu.memory_space<hbm>> -> memref<512xi32, #tpu.memory_space<hbm>>
    tpu.wait_dma2 semaphore(%arg19 : memref<!tpu.dma_semaphore, #tpu.memory_space<semaphore_mem>>) src(%dma_wait3A_8 : memref<512xi32, #tpu.memory_space<hbm>>) dst(%arg10 : memref<512xi32, #tpu.memory_space<vmem>>)
    %dma_start3A_9 = arith.constant 0 : i32
    %dma_start3A_10 = tpu.memref_slice %arg9[%dma_start3A_9] : memref<512xi32, #tpu.memory_space<vmem>> -> memref<128xi32, #tpu.memory_space<vmem>>
    %dma_start3A_11 = arith.constant 0 : i32
    %dma_start3A_12 = arith.constant 0 : i32
    %dma_start3A_13 = tpu.memref_slice %arg4[%dma_start3A_11, %dma_start3A_12] : memref<100000x128xf32, #tpu.memory_space<hbm>> -> memref<100000x128xf32, #tpu.memory_space<hbm>>
    tpu.enqueue_indirect_dma source(%dma_start3A_13 : memref<100000x128xf32, #tpu.memory_space<hbm>>) target(%arg11 : memref<128x128xf32, #tpu.memory_space<vmem>>) offsets(%dma_start3A_10 : memref<128xi32, #tpu.memory_space<vmem>>) semaphore(%arg18 : memref<!tpu.dma_semaphore, #tpu.memory_space<semaphore_mem>>)
    %dma_start3A_14 = arith.constant 0 : i32
    %dma_start3A_15 = tpu.memref_slice %arg10[%dma_start3A_14] : memref<512xi32, #tpu.memory_space<vmem>> -> memref<128xi32, #tpu.memory_space<vmem>>
    %dma_start3A_16 = arith.constant 0 : i32
    %dma_start3A_17 = arith.constant 0 : i32
    %dma_start3A_18 = tpu.memref_slice %arg5[%dma_start3A_16, %dma_start3A_17] : memref<100000x128xf32, #tpu.memory_space<hbm>> -> memref<100000x128xf32, #tpu.memory_space<hbm>>
    tpu.enqueue_indirect_dma source(%dma_start3A_18 : memref<100000x128xf32, #tpu.memory_space<hbm>>) target(%arg13 : memref<128x128xf32, #tpu.memory_space<vmem>>) offsets(%dma_start3A_15 : memref<128xi32, #tpu.memory_space<vmem>>) semaphore(%arg18 : memref<!tpu.dma_semaphore, #tpu.memory_space<semaphore_mem>>)
    %dma_start3A_19 = arith.constant 0 : i32
    %dma_start3A_20 = tpu.memref_slice %arg6[%dma_start3A_19] : memref<100000xf32, #tpu.memory_space<hbm>> -> memref<100000xf32, #tpu.memory_space<hbm>>
    tpu.enqueue_indirect_dma source(%dma_start3A_20 : memref<100000xf32, #tpu.memory_space<hbm>>) target(%arg15 : memref<512xf32, #tpu.memory_space<vmem>>) offsets(%arg9 : memref<512xi32, #tpu.memory_space<vmem>>) semaphore(%arg20 : memref<!tpu.dma_semaphore, #tpu.memory_space<semaphore_mem>>)
    %dma_start3A_21 = arith.constant 0 : i32
    %dma_start3A_22 = tpu.memref_slice %arg7[%dma_start3A_21] : memref<100000xf32, #tpu.memory_space<hbm>> -> memref<100000xf32, #tpu.memory_space<hbm>>
    tpu.enqueue_indirect_dma source(%dma_start3A_22 : memref<100000xf32, #tpu.memory_space<hbm>>) target(%arg16 : memref<512xf32, #tpu.memory_space<vmem>>) offsets(%arg10 : memref<512xi32, #tpu.memory_space<vmem>>) semaphore(%arg20 : memref<!tpu.dma_semaphore, #tpu.memory_space<semaphore_mem>>)
    %dma_wait3A_23 = arith.constant 0 : i32
    %dma_wait3A_24 = tpu.memref_slice %arg6[%dma_wait3A_23] : memref<100000xf32, #tpu.memory_space<hbm>> -> memref<100000xf32, #tpu.memory_space<hbm>>
    tpu.wait_indirect_dma semaphore(%arg20 : memref<!tpu.dma_semaphore, #tpu.memory_space<semaphore_mem>>) src(%dma_wait3A_24 : memref<100000xf32, #tpu.memory_space<hbm>>) dst(%arg15 : memref<512xf32, #tpu.memory_space<vmem>>)
    %dma_wait3A_25 = arith.constant 0 : i32
    %dma_wait3A_26 = tpu.memref_slice %arg7[%dma_wait3A_25] : memref<100000xf32, #tpu.memory_space<hbm>> -> memref<100000xf32, #tpu.memory_space<hbm>>
    tpu.wait_indirect_dma semaphore(%arg20 : memref<!tpu.dma_semaphore, #tpu.memory_space<semaphore_mem>>) src(%dma_wait3A_26 : memref<100000xf32, #tpu.memory_space<hbm>>) dst(%arg16 : memref<512xf32, #tpu.memory_space<vmem>>)
    %scan3A = arith.constant 0 : i32
    %scan3A_27 = arith.constant 0 : i32
    %scan3A_28 = arith.constant 32 : i32
    %scan3A_29 = arith.addi %scan3A_27, %scan3A_28 : i32
    %scan3A_30 = arith.constant 1 : i32
    %scan3A_31 = scf.for %scan3A_131 = %scan3A_27 to %scan3A_29 step %scan3A_30 iter_args(%scan3A_132 = %scan3A) -> (i32)  : i32 {
      %mul3A_133 = arith.constant 16 : i32
      %mul3A_134 = arith.muli %scan3A_131, %mul3A_133 : i32
      %get3A = arith.index_cast %mul3A_134 : i32 to index
      %get3A_135 = tpu.vector_load %arg15[%get3A] {strides = array<i32>} : memref<512xf32, #tpu.memory_space<vmem>>, vector<16xf32>,
      %get3A_136 = arith.index_cast %mul3A_134 : i32 to index
      %get3A_137 = tpu.vector_load %arg16[%get3A_136] {strides = array<i32>} : memref<512xf32, #tpu.memory_space<vmem>>, vector<16xf32>,
      %add3A_138 = arith.addf %get3A_135, %get3A_137 : vector<16xf32>
      %swap3A = arith.index_cast %mul3A_134 : i32 to index
      %swap3A_139 = tpu.vector_load %arg17[%swap3A] {strides = array<i32>} : memref<512xf32, #tpu.memory_space<vmem>>, vector<16xf32>,
      tpu.vector_store %arg17[%swap3A], %add3A_138 {strides = array<i32>} : memref<512xf32, #tpu.memory_space<vmem>>, vector<16xf32>,
      %scan3A_140 = arith.constant 0 : i32
      scf.yield %scan3A_140 : i32
    }
    %scan3A_32 = arith.constant 32 : i32
    %dma_start3A_33 = arith.constant 128 : i32
    %dma_start3A_34 = tpu.memref_slice %arg9[%dma_start3A_33] : memref<512xi32, #tpu.memory_space<vmem>> -> memref<128xi32, #tpu.memory_space<vmem>>
    %dma_start3A_35 = arith.constant 0 : i32
    %dma_start3A_36 = arith.constant 0 : i32
    %dma_start3A_37 = tpu.memref_slice %arg4[%dma_start3A_35, %dma_start3A_36] : memref<100000x128xf32, #tpu.memory_space<hbm>> -> memref<100000x128xf32, #tpu.memory_space<hbm>>
    tpu.enqueue_indirect_dma source(%dma_start3A_37 : memref<100000x128xf32, #tpu.memory_space<hbm>>) target(%arg12 : memref<128x128xf32, #tpu.memory_space<vmem>>) offsets(%dma_start3A_34 : memref<128xi32, #tpu.memory_space<vmem>>) semaphore(%arg19 : memref<!tpu.dma_semaphore, #tpu.memory_space<semaphore_mem>>)
    %dma_start3A_38 = arith.constant 128 : i32
    %dma_start3A_39 = tpu.memref_slice %arg10[%dma_start3A_38] : memref<512xi32, #tpu.memory_space<vmem>> -> memref<128xi32, #tpu.memory_space<vmem>>
    %dma_start3A_40 = arith.constant 0 : i32
    %dma_start3A_41 = arith.constant 0 : i32
    %dma_start3A_42 = tpu.memref_slice %arg5[%dma_start3A_40, %dma_start3A_41] : memref<100000x128xf32, #tpu.memory_space<hbm>> -> memref<100000x128xf32, #tpu.memory_space<hbm>>
    tpu.enqueue_indirect_dma source(%dma_start3A_42 : memref<100000x128xf32, #tpu.memory_space<hbm>>) target(%arg14 : memref<128x128xf32, #tpu.memory_space<vmem>>) offsets(%dma_start3A_39 : memref<128xi32, #tpu.memory_space<vmem>>) semaphore(%arg19 : memref<!tpu.dma_semaphore, #tpu.memory_space<semaphore_mem>>)
    %dma_wait3A_43 = arith.constant 0 : i32
    %dma_wait3A_44 = tpu.memref_slice %arg9[%dma_wait3A_43] : memref<512xi32, #tpu.memory_space<vmem>> -> memref<128xi32, #tpu.memory_space<vmem>>
    %dma_wait3A_45 = arith.constant 0 : i32
    %dma_wait3A_46 = arith.constant 0 : i32
    %dma_wait3A_47 = tpu.memref_slice %arg4[%dma_wait3A_45, %dma_wait3A_46] : memref<100000x128xf32, #tpu.memory_space<hbm>> -> memref<100000x128xf32, #tpu.memory_space<hbm>>
    tpu.wait_indirect_dma semaphore(%arg18 : memref<!tpu.dma_semaphore, #tpu.memory_space<semaphore_mem>>) src(%dma_wait3A_47 : memref<100000x128xf32, #tpu.memory_space<hbm>>) dst(%arg11 : memref<128x128xf32, #tpu.memory_space<vmem>>)
    %dma_wait3A_48 = arith.constant 0 : i32
    %dma_wait3A_49 = tpu.memref_slice %arg10[%dma_wait3A_48] : memref<512xi32, #tpu.memory_space<vmem>> -> memref<128xi32, #tpu.memory_space<vmem>>
    %dma_wait3A_50 = arith.constant 0 : i32
    %dma_wait3A_51 = arith.constant 0 : i32
    %dma_wait3A_52 = tpu.memref_slice %arg5[%dma_wait3A_50, %dma_wait3A_51] : memref<100000x128xf32, #tpu.memory_space<hbm>> -> memref<100000x128xf32, #tpu.memory_space<hbm>>
    tpu.wait_indirect_dma semaphore(%arg18 : memref<!tpu.dma_semaphore, #tpu.memory_space<semaphore_mem>>) src(%dma_wait3A_52 : memref<100000x128xf32, #tpu.memory_space<hbm>>) dst(%arg13 : memref<128x128xf32, #tpu.memory_space<vmem>>)
    %scan3A_53 = arith.constant 0 : i32
    %scan3A_54 = arith.constant 0 : i32
    %scan3A_55 = arith.constant 128 : i32
    %scan3A_56 = arith.addi %scan3A_54, %scan3A_55 : i32
    %scan3A_57 = arith.constant 1 : i32
    %scan3A_58 = scf.for %scan3A_131 = %scan3A_54 to %scan3A_56 step %scan3A_57 iter_args(%scan3A_132 = %scan3A_53) -> (i32)  : i32 {
      %get3A = arith.index_cast %scan3A_131 : i32 to index
      %get3A_133 = arith.constant 0 : index
      %get3A_134 = tpu.vector_load %arg11[%get3A, %get3A_133] {strides = array<i32>} : memref<128x128xf32, #tpu.memory_space<vmem>>, vector<16xf32>,
      %get3A_135 = arith.index_cast %scan3A_131 : i32 to index
      %get3A_136 = arith.constant 0 : index
      %get3A_137 = tpu.vector_load %arg13[%get3A_135, %get3A_136] {strides = array<i32>} : memref<128x128xf32, #tpu.memory_space<vmem>>, vector<16xf32>,
      %mul3A_138 = arith.mulf %get3A_134, %get3A_137 : vector<16xf32>
      %get3A_139 = arith.index_cast %scan3A_131 : i32 to index
      %get3A_140 = arith.constant 16 : index
      %get3A_141 = tpu.vector_load %arg11[%get3A_139, %get3A_140] {strides = array<i32>} : memref<128x128xf32, #tpu.memory_space<vmem>>, vector<16xf32>,
      %get3A_142 = arith.index_cast %scan3A_131 : i32 to index
      %get3A_143 = arith.constant 16 : index
      %get3A_144 = tpu.vector_load %arg13[%get3A_142, %get3A_143] {strides = array<i32>} : memref<128x128xf32, #tpu.memory_space<vmem>>, vector<16xf32>,
      %mul3A_145 = arith.mulf %get3A_141, %get3A_144 : vector<16xf32>
      %get3A_146 = arith.index_cast %scan3A_131 : i32 to index
      %get3A_147 = arith.constant 32 : index
      %get3A_148 = tpu.vector_load %arg11[%get3A_146, %get3A_147] {strides = array<i32>} : memref<128x128xf32, #tpu.memory_space<vmem>>, vector<16xf32>,
      %get3A_149 = arith.index_cast %scan3A_131 : i32 to index
      %get3A_150 = arith.constant 32 : index
      %get3A_151 = tpu.vector_load %arg13[%get3A_149, %get3A_150] {strides = array<i32>} : memref<128x128xf32, #tpu.memory_space<vmem>>, vector<16xf32>,
      %mul3A_152 = arith.mulf %get3A_148, %get3A_151 : vector<16xf32>
      %add3A_153 = arith.addf %mul3A_138, %mul3A_152 : vector<16xf32>
      %get3A_154 = arith.index_cast %scan3A_131 : i32 to index
      %get3A_155 = arith.constant 48 : index
      %get3A_156 = tpu.vector_load %arg11[%get3A_154, %get3A_155] {strides = array<i32>} : memref<128x128xf32, #tpu.memory_space<vmem>>, vector<16xf32>,
      %get3A_157 = arith.index_cast %scan3A_131 : i32 to index
      %get3A_158 = arith.constant 48 : index
      %get3A_159 = tpu.vector_load %arg13[%get3A_157, %get3A_158] {strides = array<i32>} : memref<128x128xf32, #tpu.memory_space<vmem>>, vector<16xf32>,
      %mul3A_160 = arith.mulf %get3A_156, %get3A_159 : vector<16xf32>
      %add3A_161 = arith.addf %mul3A_145, %mul3A_160 : vector<16xf32>
      %get3A_162 = arith.index_cast %scan3A_131 : i32 to index
      %get3A_163 = arith.constant 64 : index
      %get3A_164 = tpu.vector_load %arg11[%get3A_162, %get3A_163] {strides = array<i32>} : memref<128x128xf32, #tpu.memory_space<vmem>>, vector<16xf32>,
      %get3A_165 = arith.index_cast %scan3A_131 : i32 to index
      %get3A_166 = arith.constant 64 : index
      %get3A_167 = tpu.vector_load %arg13[%get3A_165, %get3A_166] {strides = array<i32>} : memref<128x128xf32, #tpu.memory_space<vmem>>, vector<16xf32>,
      %mul3A_168 = arith.mulf %get3A_164, %get3A_167 : vector<16xf32>
      %add3A_169 = arith.addf %add3A_153, %mul3A_168 : vector<16xf32>
      %get3A_170 = arith.index_cast %scan3A_131 : i32 to index
      %get3A_171 = arith.constant 80 : index
      %get3A_172 = tpu.vector_load %arg11[%get3A_170, %get3A_171] {strides = array<i32>} : memref<128x128xf32, #tpu.memory_space<vmem>>, vector<16xf32>,
      %get3A_173 = arith.index_cast %scan3A_131 : i32 to index
      %get3A_174 = arith.constant 80 : index
      %get3A_175 = tpu.vector_load %arg13[%get3A_173, %get3A_174] {strides = array<i32>} : memref<128x128xf32, #tpu.memory_space<vmem>>, vector<16xf32>,
      %mul3A_176 = arith.mulf %get3A_172, %get3A_175 : vector<16xf32>
      %add3A_177 = arith.addf %add3A_161, %mul3A_176 : vector<16xf32>
      %get3A_178 = arith.index_cast %scan3A_131 : i32 to index
      %get3A_179 = arith.constant 96 : index
      %get3A_180 = tpu.vector_load %arg11[%get3A_178, %get3A_179] {strides = array<i32>} : memref<128x128xf32, #tpu.memory_space<vmem>>, vector<16xf32>,
      %get3A_181 = arith.index_cast %scan3A_131 : i32 to index
      %get3A_182 = arith.constant 96 : index
      %get3A_183 = tpu.vector_load %arg13[%get3A_181, %get3A_182] {strides = array<i32>} : memref<128x128xf32, #tpu.memory_space<vmem>>, vector<16xf32>,
      %mul3A_184 = arith.mulf %get3A_180, %get3A_183 : vector<16xf32>
      %add3A_185 = arith.addf %add3A_169, %mul3A_184 : vector<16xf32>
      %get3A_186 = arith.index_cast %scan3A_131 : i32 to index
      %get3A_187 = arith.constant 112 : index
      %get3A_188 = tpu.vector_load %arg11[%get3A_186, %get3A_187] {strides = array<i32>} : memref<128x128xf32, #tpu.memory_space<vmem>>, vector<16xf32>,
      %get3A_189 = arith.index_cast %scan3A_131 : i32 to index
      %get3A_190 = arith.constant 112 : index
      %get3A_191 = tpu.vector_load %arg13[%get3A_189, %get3A_190] {strides = array<i32>} : memref<128x128xf32, #tpu.memory_space<vmem>>, vector<16xf32>,
      %mul3A_192 = arith.mulf %get3A_188, %get3A_191 : vector<16xf32>
      %add3A_193 = arith.addf %add3A_177, %mul3A_192 : vector<16xf32>
      %add3A_194 = arith.constant 0 : i32
      %add3A_195 = arith.addi %add3A_194, %scan3A_131 : i32
      %broadcast_in_dim3A = vector.broadcast %add3A_195 : i32 to vector<16xi32>
      %add3A_196 = arith.addf %add3A_185, %add3A_193 : vector<16xf32>
      tpu.vector_store_idx %arg17[%broadcast_in_dim3A], %add3A_196 {add = true} : memref<512xf32, #tpu.memory_space<vmem>>[vector<16xi32>], vector<16xf32>,
      %scan3A_197 = arith.constant 0 : i32
      scf.yield %scan3A_197 : i32
    }
    %scan3A_59 = arith.constant 128 : i32
    %dma_start3A_60 = arith.constant 256 : i32
    %dma_start3A_61 = tpu.memref_slice %arg9[%dma_start3A_60] : memref<512xi32, #tpu.memory_space<vmem>> -> memref<128xi32, #tpu.memory_space<vmem>>
    %dma_start3A_62 = arith.constant 0 : i32
    %dma_start3A_63 = arith.constant 0 : i32
    %dma_start3A_64 = tpu.memref_slice %arg4[%dma_start3A_62, %dma_start3A_63] : memref<100000x128xf32, #tpu.memory_space<hbm>> -> memref<100000x128xf32, #tpu.memory_space<hbm>>
    tpu.enqueue_indirect_dma source(%dma_start3A_64 : memref<100000x128xf32, #tpu.memory_space<hbm>>) target(%arg11 : memref<128x128xf32, #tpu.memory_space<vmem>>) offsets(%dma_start3A_61 : memref<128xi32, #tpu.memory_space<vmem>>) semaphore(%arg18 : memref<!tpu.dma_semaphore, #tpu.memory_space<semaphore_mem>>)
    %dma_start3A_65 = arith.constant 256 : i32
    %dma_start3A_66 = tpu.memref_slice %arg10[%dma_start3A_65] : memref<512xi32, #tpu.memory_space<vmem>> -> memref<128xi32, #tpu.memory_space<vmem>>
    %dma_start3A_67 = arith.constant 0 : i32
    %dma_start3A_68 = arith.constant 0 : i32
    %dma_start3A_69 = tpu.memref_slice %arg5[%dma_start3A_67, %dma_start3A_68] : memref<100000x128xf32, #tpu.memory_space<hbm>> -> memref<100000x128xf32, #tpu.memory_space<hbm>>
    tpu.enqueue_indirect_dma source(%dma_start3A_69 : memref<100000x128xf32, #tpu.memory_space<hbm>>) target(%arg13 : memref<128x128xf32, #tpu.memory_space<vmem>>) offsets(%dma_start3A_66 : memref<128xi32, #tpu.memory_space<vmem>>) semaphore(%arg18 : memref<!tpu.dma_semaphore, #tpu.memory_space<semaphore_mem>>)
    %dma_wait3A_70 = arith.constant 128 : i32
    %dma_wait3A_71 = tpu.memref_slice %arg9[%dma_wait3A_70] : memref<512xi32, #tpu.memory_space<vmem>> -> memref<128xi32, #tpu.memory_space<vmem>>
    %dma_wait3A_72 = arith.constant 0 : i32
    %dma_wait3A_73 = arith.constant 0 : i32
    %dma_wait3A_74 = tpu.memref_slice %arg4[%dma_wait3A_72, %dma_wait3A_73] : memref<100000x128xf32, #tpu.memory_space<hbm>> -> memref<100000x128xf32, #tpu.memory_space<hbm>>
    tpu.wait_indirect_dma semaphore(%arg19 : memref<!tpu.dma_semaphore, #tpu.memory_space<semaphore_mem>>) src(%dma_wait3A_74 : memref<100000x128xf32, #tpu.memory_space<hbm>>) dst(%arg12 : memref<128x128xf32, #tpu.memory_space<vmem>>)
    %dma_wait3A_75 = arith.constant 128 : i32
    %dma_wait3A_76 = tpu.memref_slice %arg10[%dma_wait3A_75] : memref<512xi32, #tpu.memory_space<vmem>> -> memref<128xi32, #tpu.memory_space<vmem>>
    %dma_wait3A_77 = arith.constant 0 : i32
    %dma_wait3A_78 = arith.constant 0 : i32
    %dma_wait3A_79 = tpu.memref_slice %arg5[%dma_wait3A_77, %dma_wait3A_78] : memref<100000x128xf32, #tpu.memory_space<hbm>> -> memref<100000x128xf32, #tpu.memory_space<hbm>>
    tpu.wait_indirect_dma semaphore(%arg19 : memref<!tpu.dma_semaphore, #tpu.memory_space<semaphore_mem>>) src(%dma_wait3A_79 : memref<100000x128xf32, #tpu.memory_space<hbm>>) dst(%arg14 : memref<128x128xf32, #tpu.memory_space<vmem>>)
    %scan3A_80 = arith.constant 0 : i32
    %scan3A_81 = arith.constant 0 : i32
    %scan3A_82 = arith.constant 128 : i32
    %scan3A_83 = arith.addi %scan3A_81, %scan3A_82 : i32
    %scan3A_84 = arith.constant 1 : i32
    %scan3A_85 = scf.for %scan3A_131 = %scan3A_81 to %scan3A_83 step %scan3A_84 iter_args(%scan3A_132 = %scan3A_80) -> (i32)  : i32 {
      %get3A = arith.index_cast %scan3A_131 : i32 to index
      %get3A_133 = arith.constant 0 : index
      %get3A_134 = tpu.vector_load %arg12[%get3A, %get3A_133] {strides = array<i32>} : memref<128x128xf32, #tpu.memory_space<vmem>>, vector<16xf32>,
      %get3A_135 = arith.index_cast %scan3A_131 : i32 to index
      %get3A_136 = arith.constant 0 : index
      %get3A_137 = tpu.vector_load %arg14[%get3A_135, %get3A_136] {strides = array<i32>} : memref<128x128xf32, #tpu.memory_space<vmem>>, vector<16xf32>,
      %mul3A_138 = arith.mulf %get3A_134, %get3A_137 : vector<16xf32>
      %get3A_139 = arith.index_cast %scan3A_131 : i32 to index
      %get3A_140 = arith.constant 16 : index
      %get3A_141 = tpu.vector_load %arg12[%get3A_139, %get3A_140] {strides = array<i32>} : memref<128x128xf32, #tpu.memory_space<vmem>>, vector<16xf32>,
      %get3A_142 = arith.index_cast %scan3A_131 : i32 to index
      %get3A_143 = arith.constant 16 : index
      %get3A_144 = tpu.vector_load %arg14[%get3A_142, %get3A_143] {strides = array<i32>} : memref<128x128xf32, #tpu.memory_space<vmem>>, vector<16xf32>,
      %mul3A_145 = arith.mulf %get3A_141, %get3A_144 : vector<16xf32>
      %get3A_146 = arith.index_cast %scan3A_131 : i32 to index
      %get3A_147 = arith.constant 32 : index
      %get3A_148 = tpu.vector_load %arg12[%get3A_146, %get3A_147] {strides = array<i32>} : memref<128x128xf32, #tpu.memory_space<vmem>>, vector<16xf32>,
      %get3A_149 = arith.index_cast %scan3A_131 : i32 to index
      %get3A_150 = arith.constant 32 : index
      %get3A_151 = tpu.vector_load %arg14[%get3A_149, %get3A_150] {strides = array<i32>} : memref<128x128xf32, #tpu.memory_space<vmem>>, vector<16xf32>,
      %mul3A_152 = arith.mulf %get3A_148, %get3A_151 : vector<16xf32>
      %add3A_153 = arith.addf %mul3A_138, %mul3A_152 : vector<16xf32>
      %get3A_154 = arith.index_cast %scan3A_131 : i32 to index
      %get3A_155 = arith.constant 48 : index
      %get3A_156 = tpu.vector_load %arg12[%get3A_154, %get3A_155] {strides = array<i32>} : memref<128x128xf32, #tpu.memory_space<vmem>>, vector<16xf32>,
      %get3A_157 = arith.index_cast %scan3A_131 : i32 to index
      %get3A_158 = arith.constant 48 : index
      %get3A_159 = tpu.vector_load %arg14[%get3A_157, %get3A_158] {strides = array<i32>} : memref<128x128xf32, #tpu.memory_space<vmem>>, vector<16xf32>,
      %mul3A_160 = arith.mulf %get3A_156, %get3A_159 : vector<16xf32>
      %add3A_161 = arith.addf %mul3A_145, %mul3A_160 : vector<16xf32>
      %get3A_162 = arith.index_cast %scan3A_131 : i32 to index
      %get3A_163 = arith.constant 64 : index
      %get3A_164 = tpu.vector_load %arg12[%get3A_162, %get3A_163] {strides = array<i32>} : memref<128x128xf32, #tpu.memory_space<vmem>>, vector<16xf32>,
      %get3A_165 = arith.index_cast %scan3A_131 : i32 to index
      %get3A_166 = arith.constant 64 : index
      %get3A_167 = tpu.vector_load %arg14[%get3A_165, %get3A_166] {strides = array<i32>} : memref<128x128xf32, #tpu.memory_space<vmem>>, vector<16xf32>,
      %mul3A_168 = arith.mulf %get3A_164, %get3A_167 : vector<16xf32>
      %add3A_169 = arith.addf %add3A_153, %mul3A_168 : vector<16xf32>
      %get3A_170 = arith.index_cast %scan3A_131 : i32 to index
      %get3A_171 = arith.constant 80 : index
      %get3A_172 = tpu.vector_load %arg12[%get3A_170, %get3A_171] {strides = array<i32>} : memref<128x128xf32, #tpu.memory_space<vmem>>, vector<16xf32>,
      %get3A_173 = arith.index_cast %scan3A_131 : i32 to index
      %get3A_174 = arith.constant 80 : index
      %get3A_175 = tpu.vector_load %arg14[%get3A_173, %get3A_174] {strides = array<i32>} : memref<128x128xf32, #tpu.memory_space<vmem>>, vector<16xf32>,
      %mul3A_176 = arith.mulf %get3A_172, %get3A_175 : vector<16xf32>
      %add3A_177 = arith.addf %add3A_161, %mul3A_176 : vector<16xf32>
      %get3A_178 = arith.index_cast %scan3A_131 : i32 to index
      %get3A_179 = arith.constant 96 : index
      %get3A_180 = tpu.vector_load %arg12[%get3A_178, %get3A_179] {strides = array<i32>} : memref<128x128xf32, #tpu.memory_space<vmem>>, vector<16xf32>,
      %get3A_181 = arith.index_cast %scan3A_131 : i32 to index
      %get3A_182 = arith.constant 96 : index
      %get3A_183 = tpu.vector_load %arg14[%get3A_181, %get3A_182] {strides = array<i32>} : memref<128x128xf32, #tpu.memory_space<vmem>>, vector<16xf32>,
      %mul3A_184 = arith.mulf %get3A_180, %get3A_183 : vector<16xf32>
      %add3A_185 = arith.addf %add3A_169, %mul3A_184 : vector<16xf32>
      %get3A_186 = arith.index_cast %scan3A_131 : i32 to index
      %get3A_187 = arith.constant 112 : index
      %get3A_188 = tpu.vector_load %arg12[%get3A_186, %get3A_187] {strides = array<i32>} : memref<128x128xf32, #tpu.memory_space<vmem>>, vector<16xf32>,
      %get3A_189 = arith.index_cast %scan3A_131 : i32 to index
      %get3A_190 = arith.constant 112 : index
      %get3A_191 = tpu.vector_load %arg14[%get3A_189, %get3A_190] {strides = array<i32>} : memref<128x128xf32, #tpu.memory_space<vmem>>, vector<16xf32>,
      %mul3A_192 = arith.mulf %get3A_188, %get3A_191 : vector<16xf32>
      %add3A_193 = arith.addf %add3A_177, %mul3A_192 : vector<16xf32>
      %add3A_194 = arith.constant 128 : i32
      %add3A_195 = arith.addi %add3A_194, %scan3A_131 : i32
      %broadcast_in_dim3A = vector.broadcast %add3A_195 : i32 to vector<16xi32>
      %add3A_196 = arith.addf %add3A_185, %add3A_193 : vector<16xf32>
      tpu.vector_store_idx %arg17[%broadcast_in_dim3A], %add3A_196 {add = true} : memref<512xf32, #tpu.memory_space<vmem>>[vector<16xi32>], vector<16xf32>,
      %scan3A_197 = arith.constant 0 : i32
      scf.yield %scan3A_197 : i32
    }
    %scan3A_86 = arith.constant 128 : i32
    %dma_start3A_87 = arith.constant 384 : i32
    %dma_start3A_88 = tpu.memref_slice %arg9[%dma_start3A_87] : memref<512xi32, #tpu.memory_space<vmem>> -> memref<128xi32, #tpu.memory_space<vmem>>
    %dma_start3A_89 = arith.constant 0 : i32
    %dma_start3A_90 = arith.constant 0 : i32
    %dma_start3A_91 = tpu.memref_slice %arg4[%dma_start3A_89, %dma_start3A_90] : memref<100000x128xf32, #tpu.memory_space<hbm>> -> memref<100000x128xf32, #tpu.memory_space<hbm>>
    tpu.enqueue_indirect_dma source(%dma_start3A_91 : memref<100000x128xf32, #tpu.memory_space<hbm>>) target(%arg12 : memref<128x128xf32, #tpu.memory_space<vmem>>) offsets(%dma_start3A_88 : memref<128xi32, #tpu.memory_space<vmem>>) semaphore(%arg19 : memref<!tpu.dma_semaphore, #tpu.memory_space<semaphore_mem>>)
    %dma_start3A_92 = arith.constant 384 : i32
    %dma_start3A_93 = tpu.memref_slice %arg10[%dma_start3A_92] : memref<512xi32, #tpu.memory_space<vmem>> -> memref<128xi32, #tpu.memory_space<vmem>>
    %dma_start3A_94 = arith.constant 0 : i32
    %dma_start3A_95 = arith.constant 0 : i32
    %dma_start3A_96 = tpu.memref_slice %arg5[%dma_start3A_94, %dma_start3A_95] : memref<100000x128xf32, #tpu.memory_space<hbm>> -> memref<100000x128xf32, #tpu.memory_space<hbm>>
    tpu.enqueue_indirect_dma source(%dma_start3A_96 : memref<100000x128xf32, #tpu.memory_space<hbm>>) target(%arg14 : memref<128x128xf32, #tpu.memory_space<vmem>>) offsets(%dma_start3A_93 : memref<128xi32, #tpu.memory_space<vmem>>) semaphore(%arg19 : memref<!tpu.dma_semaphore, #tpu.memory_space<semaphore_mem>>)
    %dma_wait3A_97 = arith.constant 256 : i32
    %dma_wait3A_98 = tpu.memref_slice %arg9[%dma_wait3A_97] : memref<512xi32, #tpu.memory_space<vmem>> -> memref<128xi32, #tpu.memory_space<vmem>>
    %dma_wait3A_99 = arith.constant 0 : i32
    %dma_wait3A_100 = arith.constant 0 : i32
    %dma_wait3A_101 = tpu.memref_slice %arg4[%dma_wait3A_99, %dma_wait3A_100] : memref<100000x128xf32, #tpu.memory_space<hbm>> -> memref<100000x128xf32, #tpu.memory_space<hbm>>
    tpu.wait_indirect_dma semaphore(%arg18 : memref<!tpu.dma_semaphore, #tpu.memory_space<semaphore_mem>>) src(%dma_wait3A_101 : memref<100000x128xf32, #tpu.memory_space<hbm>>) dst(%arg11 : memref<128x128xf32, #tpu.memory_space<vmem>>)
    %dma_wait3A_102 = arith.constant 256 : i32
    %dma_wait3A_103 = tpu.memref_slice %arg10[%dma_wait3A_102] : memref<512xi32, #tpu.memory_space<vmem>> -> memref<128xi32, #tpu.memory_space<vmem>>
    %dma_wait3A_104 = arith.constant 0 : i32
    %dma_wait3A_105 = arith.constant 0 : i32
    %dma_wait3A_106 = tpu.memref_slice %arg5[%dma_wait3A_104, %dma_wait3A_105] : memref<100000x128xf32, #tpu.memory_space<hbm>> -> memref<100000x128xf32, #tpu.memory_space<hbm>>
    tpu.wait_indirect_dma semaphore(%arg18 : memref<!tpu.dma_semaphore, #tpu.memory_space<semaphore_mem>>) src(%dma_wait3A_106 : memref<100000x128xf32, #tpu.memory_space<hbm>>) dst(%arg13 : memref<128x128xf32, #tpu.memory_space<vmem>>)
    %scan3A_107 = arith.constant 0 : i32
    %scan3A_108 = arith.constant 0 : i32
    %scan3A_109 = arith.constant 128 : i32
    %scan3A_110 = arith.addi %scan3A_108, %scan3A_109 : i32
    %scan3A_111 = arith.constant 1 : i32
    %scan3A_112 = scf.for %scan3A_131 = %scan3A_108 to %scan3A_110 step %scan3A_111 iter_args(%scan3A_132 = %scan3A_107) -> (i32)  : i32 {
      %get3A = arith.index_cast %scan3A_131 : i32 to index
      %get3A_133 = arith.constant 0 : index
      %get3A_134 = tpu.vector_load %arg11[%get3A, %get3A_133] {strides = array<i32>} : memref<128x128xf32, #tpu.memory_space<vmem>>, vector<16xf32>,
      %get3A_135 = arith.index_cast %scan3A_131 : i32 to index
      %get3A_136 = arith.constant 0 : index
      %get3A_137 = tpu.vector_load %arg13[%get3A_135, %get3A_136] {strides = array<i32>} : memref<128x128xf32, #tpu.memory_space<vmem>>, vector<16xf32>,
      %mul3A_138 = arith.mulf %get3A_134, %get3A_137 : vector<16xf32>
      %get3A_139 = arith.index_cast %scan3A_131 : i32 to index
      %get3A_140 = arith.constant 16 : index
      %get3A_141 = tpu.vector_load %arg11[%get3A_139, %get3A_140] {strides = array<i32>} : memref<128x128xf32, #tpu.memory_space<vmem>>, vector<16xf32>,
      %get3A_142 = arith.index_cast %scan3A_131 : i32 to index
      %get3A_143 = arith.constant 16 : index
      %get3A_144 = tpu.vector_load %arg13[%get3A_142, %get3A_143] {strides = array<i32>} : memref<128x128xf32, #tpu.memory_space<vmem>>, vector<16xf32>,
      %mul3A_145 = arith.mulf %get3A_141, %get3A_144 : vector<16xf32>
      %get3A_146 = arith.index_cast %scan3A_131 : i32 to index
      %get3A_147 = arith.constant 32 : index
      %get3A_148 = tpu.vector_load %arg11[%get3A_146, %get3A_147] {strides = array<i32>} : memref<128x128xf32, #tpu.memory_space<vmem>>, vector<16xf32>,
      %get3A_149 = arith.index_cast %scan3A_131 : i32 to index
      %get3A_150 = arith.constant 32 : index
      %get3A_151 = tpu.vector_load %arg13[%get3A_149, %get3A_150] {strides = array<i32>} : memref<128x128xf32, #tpu.memory_space<vmem>>, vector<16xf32>,
      %mul3A_152 = arith.mulf %get3A_148, %get3A_151 : vector<16xf32>
      %add3A_153 = arith.addf %mul3A_138, %mul3A_152 : vector<16xf32>
      %get3A_154 = arith.index_cast %scan3A_131 : i32 to index
      %get3A_155 = arith.constant 48 : index
      %get3A_156 = tpu.vector_load %arg11[%get3A_154, %get3A_155] {strides = array<i32>} : memref<128x128xf32, #tpu.memory_space<vmem>>, vector<16xf32>,
      %get3A_157 = arith.index_cast %scan3A_131 : i32 to index
      %get3A_158 = arith.constant 48 : index
      %get3A_159 = tpu.vector_load %arg13[%get3A_157, %get3A_158] {strides = array<i32>} : memref<128x128xf32, #tpu.memory_space<vmem>>, vector<16xf32>,
      %mul3A_160 = arith.mulf %get3A_156, %get3A_159 : vector<16xf32>
      %add3A_161 = arith.addf %mul3A_145, %mul3A_160 : vector<16xf32>
      %get3A_162 = arith.index_cast %scan3A_131 : i32 to index
      %get3A_163 = arith.constant 64 : index
      %get3A_164 = tpu.vector_load %arg11[%get3A_162, %get3A_163] {strides = array<i32>} : memref<128x128xf32, #tpu.memory_space<vmem>>, vector<16xf32>,
      %get3A_165 = arith.index_cast %scan3A_131 : i32 to index
      %get3A_166 = arith.constant 64 : index
      %get3A_167 = tpu.vector_load %arg13[%get3A_165, %get3A_166] {strides = array<i32>} : memref<128x128xf32, #tpu.memory_space<vmem>>, vector<16xf32>,
      %mul3A_168 = arith.mulf %get3A_164, %get3A_167 : vector<16xf32>
      %add3A_169 = arith.addf %add3A_153, %mul3A_168 : vector<16xf32>
      %get3A_170 = arith.index_cast %scan3A_131 : i32 to index
      %get3A_171 = arith.constant 80 : index
      %get3A_172 = tpu.vector_load %arg11[%get3A_170, %get3A_171] {strides = array<i32>} : memref<128x128xf32, #tpu.memory_space<vmem>>, vector<16xf32>,
      %get3A_173 = arith.index_cast %scan3A_131 : i32 to index
      %get3A_174 = arith.constant 80 : index
      %get3A_175 = tpu.vector_load %arg13[%get3A_173, %get3A_174] {strides = array<i32>} : memref<128x128xf32, #tpu.memory_space<vmem>>, vector<16xf32>,
      %mul3A_176 = arith.mulf %get3A_172, %get3A_175 : vector<16xf32>
      %add3A_177 = arith.addf %add3A_161, %mul3A_176 : vector<16xf32>
      %get3A_178 = arith.index_cast %scan3A_131 : i32 to index
      %get3A_179 = arith.constant 96 : index
      %get3A_180 = tpu.vector_load %arg11[%get3A_178, %get3A_179] {strides = array<i32>} : memref<128x128xf32, #tpu.memory_space<vmem>>, vector<16xf32>,
      %get3A_181 = arith.index_cast %scan3A_131 : i32 to index
      %get3A_182 = arith.constant 96 : index
      %get3A_183 = tpu.vector_load %arg13[%get3A_181, %get3A_182] {strides = array<i32>} : memref<128x128xf32, #tpu.memory_space<vmem>>, vector<16xf32>,
      %mul3A_184 = arith.mulf %get3A_180, %get3A_183 : vector<16xf32>
      %add3A_185 = arith.addf %add3A_169, %mul3A_184 : vector<16xf32>
      %get3A_186 = arith.index_cast %scan3A_131 : i32 to index
      %get3A_187 = arith.constant 112 : index
      %get3A_188 = tpu.vector_load %arg11[%get3A_186, %get3A_187] {strides = array<i32>} : memref<128x128xf32, #tpu.memory_space<vmem>>, vector<16xf32>,
      %get3A_189 = arith.index_cast %scan3A_131 : i32 to index
      %get3A_190 = arith.constant 112 : index
      %get3A_191 = tpu.vector_load %arg13[%get3A_189, %get3A_190] {strides = array<i32>} : memref<128x128xf32, #tpu.memory_space<vmem>>, vector<16xf32>,
      %mul3A_192 = arith.mulf %get3A_188, %get3A_191 : vector<16xf32>
      %add3A_193 = arith.addf %add3A_177, %mul3A_192 : vector<16xf32>
      %add3A_194 = arith.constant 256 : i32
      %add3A_195 = arith.addi %add3A_194, %scan3A_131 : i32
      %broadcast_in_dim3A = vector.broadcast %add3A_195 : i32 to vector<16xi32>
      %add3A_196 = arith.addf %add3A_185, %add3A_193 : vector<16xf32>
      tpu.vector_store_idx %arg17[%broadcast_in_dim3A], %add3A_196 {add = true} : memref<512xf32, #tpu.memory_space<vmem>>[vector<16xi32>], vector<16xf32>,
      %scan3A_197 = arith.constant 0 : i32
      scf.yield %scan3A_197 : i32
    }
    %scan3A_113 = arith.constant 128 : i32
    %dma_wait3A_114 = arith.constant 384 : i32
    %dma_wait3A_115 = tpu.memref_slice %arg9[%dma_wait3A_114] : memref<512xi32, #tpu.memory_space<vmem>> -> memref<128xi32, #tpu.memory_space<vmem>>
    %dma_wait3A_116 = arith.constant 0 : i32
    %dma_wait3A_117 = arith.constant 0 : i32
    %dma_wait3A_118 = tpu.memref_slice %arg4[%dma_wait3A_116, %dma_wait3A_117] : memref<100000x128xf32, #tpu.memory_space<hbm>> -> memref<100000x128xf32, #tpu.memory_space<hbm>>
    tpu.wait_indirect_dma semaphore(%arg19 : memref<!tpu.dma_semaphore, #tpu.memory_space<semaphore_mem>>) src(%dma_wait3A_118 : memref<100000x128xf32, #tpu.memory_space<hbm>>) dst(%arg12 : memref<128x128xf32, #tpu.memory_space<vmem>>)
    %dma_wait3A_119 = arith.constant 384 : i32
    %dma_wait3A_120 = tpu.memref_slice %arg10[%dma_wait3A_119] : memref<512xi32, #tpu.memory_space<vmem>> -> memref<128xi32, #tpu.memory_space<vmem>>
    %dma_wait3A_121 = arith.constant 0 : i32
    %dma_wait3A_122 = arith.constant 0 : i32
    %dma_wait3A_123 = tpu.memref_slice %arg5[%dma_wait3A_121, %dma_wait3A_122] : memref<100000x128xf32, #tpu.memory_space<hbm>> -> memref<100000x128xf32, #tpu.memory_space<hbm>>
    tpu.wait_indirect_dma semaphore(%arg19 : memref<!tpu.dma_semaphore, #tpu.memory_space<semaphore_mem>>) src(%dma_wait3A_123 : memref<100000x128xf32, #tpu.memory_space<hbm>>) dst(%arg14 : memref<128x128xf32, #tpu.memory_space<vmem>>)
    %scan3A_124 = arith.constant 0 : i32
    %scan3A_125 = arith.constant 0 : i32
    %scan3A_126 = arith.constant 128 : i32
    %scan3A_127 = arith.addi %scan3A_125, %scan3A_126 : i32
    %scan3A_128 = arith.constant 1 : i32
    %scan3A_129 = scf.for %scan3A_131 = %scan3A_125 to %scan3A_127 step %scan3A_128 iter_args(%scan3A_132 = %scan3A_124) -> (i32)  : i32 {
      %get3A = arith.index_cast %scan3A_131 : i32 to index
      %get3A_133 = arith.constant 0 : index
      %get3A_134 = tpu.vector_load %arg12[%get3A, %get3A_133] {strides = array<i32>} : memref<128x128xf32, #tpu.memory_space<vmem>>, vector<16xf32>,
      %get3A_135 = arith.index_cast %scan3A_131 : i32 to index
      %get3A_136 = arith.constant 0 : index
      %get3A_137 = tpu.vector_load %arg14[%get3A_135, %get3A_136] {strides = array<i32>} : memref<128x128xf32, #tpu.memory_space<vmem>>, vector<16xf32>,
      %mul3A_138 = arith.mulf %get3A_134, %get3A_137 : vector<16xf32>
      %get3A_139 = arith.index_cast %scan3A_131 : i32 to index
      %get3A_140 = arith.constant 16 : index
      %get3A_141 = tpu.vector_load %arg12[%get3A_139, %get3A_140] {strides = array<i32>} : memref<128x128xf32, #tpu.memory_space<vmem>>, vector<16xf32>,
      %get3A_142 = arith.index_cast %scan3A_131 : i32 to index
      %get3A_143 = arith.constant 16 : index
      %get3A_144 = tpu.vector_load %arg14[%get3A_142, %get3A_143] {strides = array<i32>} : memref<128x128xf32, #tpu.memory_space<vmem>>, vector<16xf32>,
      %mul3A_145 = arith.mulf %get3A_141, %get3A_144 : vector<16xf32>
      %get3A_146 = arith.index_cast %scan3A_131 : i32 to index
      %get3A_147 = arith.constant 32 : index
      %get3A_148 = tpu.vector_load %arg12[%get3A_146, %get3A_147] {strides = array<i32>} : memref<128x128xf32, #tpu.memory_space<vmem>>, vector<16xf32>,
      %get3A_149 = arith.index_cast %scan3A_131 : i32 to index
      %get3A_150 = arith.constant 32 : index
      %get3A_151 = tpu.vector_load %arg14[%get3A_149, %get3A_150] {strides = array<i32>} : memref<128x128xf32, #tpu.memory_space<vmem>>, vector<16xf32>,
      %mul3A_152 = arith.mulf %get3A_148, %get3A_151 : vector<16xf32>
      %add3A_153 = arith.addf %mul3A_138, %mul3A_152 : vector<16xf32>
      %get3A_154 = arith.index_cast %scan3A_131 : i32 to index
      %get3A_155 = arith.constant 48 : index
      %get3A_156 = tpu.vector_load %arg12[%get3A_154, %get3A_155] {strides = array<i32>} : memref<128x128xf32, #tpu.memory_space<vmem>>, vector<16xf32>,
      %get3A_157 = arith.index_cast %scan3A_131 : i32 to index
      %get3A_158 = arith.constant 48 : index
      %get3A_159 = tpu.vector_load %arg14[%get3A_157, %get3A_158] {strides = array<i32>} : memref<128x128xf32, #tpu.memory_space<vmem>>, vector<16xf32>,
      %mul3A_160 = arith.mulf %get3A_156, %get3A_159 : vector<16xf32>
      %add3A_161 = arith.addf %mul3A_145, %mul3A_160 : vector<16xf32>
      %get3A_162 = arith.index_cast %scan3A_131 : i32 to index
      %get3A_163 = arith.constant 64 : index
      %get3A_164 = tpu.vector_load %arg12[%get3A_162, %get3A_163] {strides = array<i32>} : memref<128x128xf32, #tpu.memory_space<vmem>>, vector<16xf32>,
      %get3A_165 = arith.index_cast %scan3A_131 : i32 to index
      %get3A_166 = arith.constant 64 : index
      %get3A_167 = tpu.vector_load %arg14[%get3A_165, %get3A_166] {strides = array<i32>} : memref<128x128xf32, #tpu.memory_space<vmem>>, vector<16xf32>,
      %mul3A_168 = arith.mulf %get3A_164, %get3A_167 : vector<16xf32>
      %add3A_169 = arith.addf %add3A_153, %mul3A_168 : vector<16xf32>
      %get3A_170 = arith.index_cast %scan3A_131 : i32 to index
      %get3A_171 = arith.constant 80 : index
      %get3A_172 = tpu.vector_load %arg12[%get3A_170, %get3A_171] {strides = array<i32>} : memref<128x128xf32, #tpu.memory_space<vmem>>, vector<16xf32>,
      %get3A_173 = arith.index_cast %scan3A_131 : i32 to index
      %get3A_174 = arith.constant 80 : index
      %get3A_175 = tpu.vector_load %arg14[%get3A_173, %get3A_174] {strides = array<i32>} : memref<128x128xf32, #tpu.memory_space<vmem>>, vector<16xf32>,
      %mul3A_176 = arith.mulf %get3A_172, %get3A_175 : vector<16xf32>
      %add3A_177 = arith.addf %add3A_161, %mul3A_176 : vector<16xf32>
      %get3A_178 = arith.index_cast %scan3A_131 : i32 to index
      %get3A_179 = arith.constant 96 : index
      %get3A_180 = tpu.vector_load %arg12[%get3A_178, %get3A_179] {strides = array<i32>} : memref<128x128xf32, #tpu.memory_space<vmem>>, vector<16xf32>,
      %get3A_181 = arith.index_cast %scan3A_131 : i32 to index
      %get3A_182 = arith.constant 96 : index
      %get3A_183 = tpu.vector_load %arg14[%get3A_181, %get3A_182] {strides = array<i32>} : memref<128x128xf32, #tpu.memory_space<vmem>>, vector<16xf32>,
      %mul3A_184 = arith.mulf %get3A_180, %get3A_183 : vector<16xf32>
      %add3A_185 = arith.addf %add3A_169, %mul3A_184 : vector<16xf32>
      %get3A_186 = arith.index_cast %scan3A_131 : i32 to index
      %get3A_187 = arith.constant 112 : index
      %get3A_188 = tpu.vector_load %arg12[%get3A_186, %get3A_187] {strides = array<i32>} : memref<128x128xf32, #tpu.memory_space<vmem>>, vector<16xf32>,
      %get3A_189 = arith.index_cast %scan3A_131 : i32 to index
      %get3A_190 = arith.constant 112 : index
      %get3A_191 = tpu.vector_load %arg14[%get3A_189, %get3A_190] {strides = array<i32>} : memref<128x128xf32, #tpu.memory_space<vmem>>, vector<16xf32>,
      %mul3A_192 = arith.mulf %get3A_188, %get3A_191 : vector<16xf32>
      %add3A_193 = arith.addf %add3A_177, %mul3A_192 : vector<16xf32>
      %add3A_194 = arith.constant 384 : i32
      %add3A_195 = arith.addi %add3A_194, %scan3A_131 : i32
      %broadcast_in_dim3A = vector.broadcast %add3A_195 : i32 to vector<16xi32>
      %add3A_196 = arith.addf %add3A_185, %add3A_193 : vector<16xf32>
      tpu.vector_store_idx %arg17[%broadcast_in_dim3A], %add3A_196 {add = true} : memref<512xf32, #tpu.memory_space<vmem>>[vector<16xi32>], vector<16xf32>,
      %scan3A_197 = arith.constant 0 : i32
      scf.yield %scan3A_197 : i32
    }
    %scan3A_130 = arith.constant 128 : i32
    "tpu.region"() ({
      %run_scoped3A = tpu.sem_alloc : memref<!tpu.dma_semaphore, #tpu.memory_space<semaphore_mem>>
      %dma_start3A_131 = tpu.memref_slice %arg8[%mul3A_2] : memref<16384xf32, #tpu.memory_space<hbm>> -> memref<512xf32, #tpu.memory_space<hbm>>
      %dma_start3A_132 = tpu.memref_slice %arg8[%mul3A_2] : memref<16384xf32, #tpu.memory_space<hbm>> -> memref<512xf32, #tpu.memory_space<hbm>>
      tpu.enqueue_dma source(%arg17 : memref<512xf32, #tpu.memory_space<vmem>>) target(%dma_start3A_132 : memref<512xf32, #tpu.memory_space<hbm>>) target_semaphore(%run_scoped3A : memref<!tpu.dma_semaphore, #tpu.memory_space<semaphore_mem>>)
      %dma_wait3A_133 = tpu.memref_slice %arg8[%mul3A_2] : memref<16384xf32, #tpu.memory_space<hbm>> -> memref<512xf32, #tpu.memory_space<hbm>>
      %dma_wait3A_134 = tpu.memref_slice %arg8[%mul3A_2] : memref<16384xf32, #tpu.memory_space<hbm>> -> memref<512xf32, #tpu.memory_space<hbm>>
      tpu.wait_dma2 semaphore(%run_scoped3A : memref<!tpu.dma_semaphore, #tpu.memory_space<semaphore_mem>>) src(%arg17 : memref<512xf32, #tpu.memory_space<vmem>>) dst(%dma_wait3A_134 : memref<512xf32, #tpu.memory_space<hbm>>)
      tpu.yield
    }) : () -> ()
    return
  }
}

</mosaic_0001>

<sc_bundles>
// kernel: _glove.3.cloned.1.call-start
scs
__scs_entry_jumppad:
0x0: {  	(pc) =	sbr.rel $0x88, $3  }
0x1: {  	(tag) =	ssettag $0x0;
	lr =	simm.s32 $0x1  }
0x2: {  	[smem:$0x3F9B] =	sst lr;
	_ =	strace $0xD0000000  }
0x3: {  	_ = 	snop  }
0x4: {  	_ = 	snop  }
0x5: {  	_ = 	snop  }
0x6: {  	_ = 	snop  }
0x7: {  	_ = 	snop  }
__scs_overlays_trampoline_lowered:
0x8: {  	[smem:$0x3FAA] =	sst s0  }
0x9: {  	[smem:$0x3FAB] =	sst s1  }
0xa: {  	[smem:$0x3FAC] =	sst s2  }
0xb: {  	[smem:$0x3FAD] =	sst s3  }
0xc: {  	[smem:$0x3FAE] =	sst s4  }
0xd: {  	[smem:$0x3FAF] =	sst s5  }
0xe: {  	[smem:$0x3FB0] =	sst s6  }
0xf: {  	[smem:$0x3FB1] =	sst s7  }
0x10: {  	[smem:$0x3FB2] =	sst s8  }
0x11: {  	[smem:$0x3FB3] =	sst s9;
	s0 =	simm.s32 @!p0 $0x0  }
0x12: {  	s1 =	sld [smem:$0x3F99];
	s0 =	simm.s32 @p0 $0x1  }
0x13: {  	[smem:$0x3FB4] =	sst s0;
	s0 =	simm.s32 @!p1 $0x0  }
0x14: {  	s2 =	sld [smem:$0x3F98];
	s0 =	simm.s32 @p1 $0x1  }
0x15: {  	[smem:$0x3FB5] =	sst s0;
	s0 =	simm.s32 @!p2 $0x0  }
0x16: {  	s3 =	sld [smem:$0x3FDB];
	s0 =	simm.s32 @p2 $0x1  }
0x17: {  	s4 =	simm.s32 $0x1BF5;
	[smem:$0x3FB7] =	sst s0  }
0x18: {  	s0 =	sld [smem:$0x3F9A];
	_ =	swait.ge [sflag:s4], $0x0  }
0x19: {  	s7 =	sld [smem:$0x3F9B]  }
0x1a: {  	s8 =	sadd.s32 $0xFFFFE003, lr  }
0x1b: {  	s9 =	sadd.s32 $0xFFFFFEF7, lr;
	s5 =	simm.s32 $0xFFFFFFFF;
	p2 =	slt.u32 s8, $0xFFFFF086  }
0x1c: {  	p1 =	slt.u32 s9, $0xF7A;
	s5 =	simm.s32 @!p2 $0x0  }
0x1d: {  	s5 =	simm.s32 @p1 $0x1;
	p0 =	seq.s32 s7, s2  }
0x1e: {  	s7 =	smul.u32 @!p0 $0xF7A, s2;
	p2 =	seq.s32 @!p0 s5, $0x0  }
0x1f: {  	s9 =	smul.u32 $0xF7A, s1;
	s8 =	simm.s32 @!p0 $0x1BF5;
	p2 =	por !p2, p0  }
0x20: {  	[sflag:s8] =	ssyncset.s32 @!p0 $0xFFFFF086;
	s6 =	sadd.s32 @!p0 s3, s7;
	s7 =	simm.s32 @!p0 $0x108  }
0x21: {  	s3 =	sadd.s32 s3, s9;
	s6 =	sadd.s32 @!p0 $0x88, s6;
	s7 =	simm.s32 @p2 $0x1082  }
0x22: {  	[simem:s7], [sflag:s8] =	dma.local @!p0 [hbm:s6], $0xF7A  }
0x23: {  	s9 =	sor.u32 $0xD0000000, s2;
	s6 =	simm.s32 $0x108;
	_ =	swait.ge @!p0 [sflag:s8], $0x0  }
0x24: {  	s3 =	sadd.s32 $0x88, s3;
	s6 =	simm.s32 @!p1 $0x1082;
	[sflag:s4] =	ssyncset.s32 $0xFFFFF086  }
0x25: {  	[simem:s6], [sflag:s4] =	dma.local [hbm:s3], $0xF7A  }
0x26: {  	[smem:$0x3F9B] =	sst s1;
	(tag) =	ssettag s2;
	_ =	strace s9  }
0x27: {  	s1 =	sld [smem:$0x3FAB]  }
0x28: {  	s2 =	sld [smem:$0x3FAC]  }
0x29: {  	s4 =	sld [smem:$0x3FAE]  }
0x2a: {  	p0 =	seq.s32 s5, $0x0;
	s5 =	sld [smem:$0x3FAF]  }
0x2b: {  	s6 =	sld [smem:$0x3FB0]  }
0x2c: {  	s7 =	sld [smem:$0x3FB1]  }
0x2d: {  	s3 =	simm.s32 $0x108;
	s8 =	sld [smem:$0x3FB2]  }
0x2e: {  	s3 =	simm.s32 @!p0 $0x1082;
	s9 =	sld [smem:$0x3FB3]  }
0x2f: {  	lr =	sadd.s32 s0, s3;
	s0 =	sld [smem:$0x3FAA]  }
0x30: {  	s3 =	sld [smem:$0x3FAD]  }
0x31: {  	[smem:$0x3FB6] =	sst s10  }
0x32: {  	s10 =	sld [smem:$0x3FB4];
	_ =	sdelay $0x3  }
0x33: {  	p0 =	seq.s32 s10, $0x1;
	s10 =	sld [smem:$0x3FB6];
	_ =	sdelay $0x3  }
0x34: {  	[smem:$0x3FB6] =	sst s10  }
0x35: {  	s10 =	sld [smem:$0x3FB5];
	_ =	sdelay $0x3  }
0x36: {  	p1 =	seq.s32 s10, $0x1;
	s10 =	sld [smem:$0x3FB6];
	_ =	sdelay $0x3  }
0x37: {  	[smem:$0x3FB6] =	sst s10  }
0x38: {  	s10 =	sld [smem:$0x3FB7]  }
0x39: {  	_ = 	snop;
	(pc) =	sbr.ind lr, $3  }
0x3a: {  	_ = 	snop  }
0x3b: {  	_ = 	snop  }
0x3c: {  	p2 =	seq.s32 s10, $0x1;
	s10 =	sld [smem:$0x3FB6]  }
0x3d: {  	_ =	shalt  }
0x3e: {  	_ =	shalt  }
0x3f: {  	_ =	shalt  }
0x40: {  	_ =	shalt  }
0x41: {  	_ =	shalt  }
0x42: {  	_ =	shalt  }
0x43: {  	_ =	shalt  }
0x44: {  	_ =	shalt  }
0x45: {  	_ =	shalt  }
0x46: {  	_ =	shalt  }
0x47: {  	_ =	shalt  }
0x48: {  	_ =	shalt  }
0x49: {  	_ =	shalt  }
0x4a: {  	_ =	shalt  }
0x4b: {  	_ =	shalt  }
0x4c: {  	_ =	shalt  }
0x4d: {  	_ =	shalt  }
0x4e: {  	_ =	shalt  }
0x4f: {  	_ =	shalt  }
0x50: {  	_ =	shalt  }
0x51: {  	_ =	shalt  }
0x52: {  	_ =	shalt  }
0x53: {  	_ =	shalt  }
0x54: {  	_ =	shalt  }
0x55: {  	_ =	shalt  }
0x56: {  	_ =	shalt  }
0x57: {  	_ =	shalt  }
0x58: {  	_ =	shalt  }
0x59: {  	_ =	shalt  }
0x5a: {  	_ =	shalt  }
0x5b: {  	_ =	shalt  }
0x5c: {  	_ =	shalt  }
0x5d: {  	_ =	shalt  }
0x5e: {  	_ =	shalt  }
0x5f: {  	_ =	shalt  }
0x60: {  	_ =	shalt  }
0x61: {  	_ =	shalt  }
0x62: {  	_ =	shalt  }
0x63: {  	_ =	shalt  }
0x64: {  	_ =	shalt  }
0x65: {  	_ =	shalt  }
0x66: {  	_ =	shalt  }
0x67: {  	_ =	shalt  }
0x68: {  	_ =	shalt  }
0x69: {  	_ =	shalt  }
0x6a: {  	_ =	shalt  }
0x6b: {  	_ =	shalt  }
0x6c: {  	_ =	shalt  }
0x6d: {  	_ =	shalt  }
0x6e: {  	_ =	shalt  }
0x6f: {  	_ =	shalt  }
0x70: {  	_ =	shalt  }
0x71: {  	_ =	shalt  }
0x72: {  	_ =	shalt  }
0x73: {  	_ =	shalt  }
0x74: {  	_ =	shalt  }
0x75: {  	_ =	shalt  }
0x76: {  	_ =	shalt  }
0x77: {  	_ =	shalt  }
0x78: {  	_ =	shalt  }
0x79: {  	_ =	shalt  }
0x7a: {  	_ =	shalt  }
0x7b: {  	_ =	shalt  }
0x7c: {  	_ =	shalt  }
0x7d: {  	_ =	shalt  }
0x7e: {  	_ =	shalt  }
0x7f: {  	_ =	shalt  }
0x80: {  	_ =	shalt  }
0x81: {  	_ =	shalt  }
0x82: {  	_ =	shalt  }
0x83: {  	_ =	shalt  }
0x84: {  	_ =	shalt  }
0x85: {  	_ =	shalt  }
0x86: {  	_ =	shalt  }
0x87: {  	_ =	shalt  }
.Lfunc_end0:
.L_simem_size_0:
called_computation_lowered:
.L_overlay_start_0:
0x88: {  	s2 =	sld [smem:$0x3FD9]  }
0x89: {  	s3 =	sld [smem:$0x3FFE];
	_ =	sdelay $0x1  }
0x8a: {  	s1 =	srdreg.scid  }
0x8b: {  	s0 =	sand.u32 $0x1, s1  }
0x8c: {  	s18 =	sshll.u32 s0, $0xA;
	s2 =	sadd.s32 s3, s2  }
0x8d: {  	s2 =	sadd.s32 s2, s18  }
0x8e: {  	[smem:$0x3FC2] =	sst s2  }
0x8f: {  	_ = 	snop  }
0x90: {  	s2 =	sld [smem:$0x3FC9]  }
0x91: {  	s19 =	sld [smem:$0x3FC8]  }
0x92: {  	s4 =	sld [smem:$0x3FC7]  }
0x93: {  	s5 =	sld [smem:$0x3FC6]  }
0x94: {  	s6 =	sld [smem:$0x3FC5]  }
0x95: {  	s7 =	sld [smem:$0x3FC4]  }
0x96: {  	s8 =	sld [smem:$0x3FD0];
	(tm) =	ssettm $0x1  }
0x97: {  	s9 =	sld [smem:$0x3FFB];
	_ =	sdelay $0x3  }
0x98: {  	_ =	strace s9  }
0x99: {  	s9 =	sld [smem:$0x3FFC];
	_ =	sdelay $0x3  }
0x9a: {  	_ =	strace s9  }
0x9b: {  	s9 =	sld [smem:$0x3FFD];
	_ =	sdelay $0x3  }
0x9c: {  	_ =	strace s9  }
0x9d: {  	_ =	strace $0x8FFFFFFF  }
0x9e: {  	s20 =	sld [smem:$0x3FDB];
	_ =	sdelay $0x1  }
0x9f: {  	s10 =	simm.s32 $_scs_section_size  }
0xa0: {  	s11 =	simm.s32 $_size__tile_overlayer_lowered;
	s12 =	simm.s32 $_tile_overlayer_lowered  }
0xa1: {  	s23 =	simm.s32 $0x1BFF;
	s22 =	sshll.u32 s12, $0x1;
	s9 =	sadd.s32 s10, s20  }
0xa2: {  	s13 =	simm.s32 $0x0;
	s21 =	sshll.u32 s11, $0x1;
	s11 =	sadd.s32 s22, s9  }
0xa3: {  	[timem:s13], [sflag:s23] =	dma.local [hbm:s11], s21  }
0xa4: {  	_ =	swait.ge [sflag:s23], s21  }
0xa5: {  	s10 =	ssub.s32 $0x0, s21;
	[sflag:s23] =	ssyncset.done $0x0  }
0xa6: {  	[sflag:s23] =	ssyncadd.s32 s10;
	_ =	sdelay $0x1  }
0xa7: {  	s24 =	simm.s32 $0x1B8B  }
0xa8: {  	_ =	swait.ge [sflag:s24], $0x1  }
0xa9: {  	[sflag:s24] =	ssyncset.done $0x0  }
0xaa: {  	s25 =	simm.s32 $0x1B8E;
	[sflag:s24] =	ssyncadd.s32 $0xFFFFFFFF  }
0xab: {  	s26 =	simm.s32 $execute0_lowered;
	[smem:$0x3FD2] =	sst s25  }
0xac: {  	s10 =	sshll.u32 s26, $0x1;
	_ =	strace $0x80000046;
	[dreg:$0x1] =	wrdreg $0xFFFFFFFF  }
0xad: {  	s28 =	simm.s32 $_size_execute0_lowered;
	s9 =	sadd.s32 s9, s10;
	[dreg:$0x0] =	wrdreg $0x0  }
0xae: {  	s10 =	sshll.u32 s28, $0x1;
	[dreg:$0x2] =	wrdreg s9  }
0xaf: {  	[dreg:$0x3] =	wrdreg s10  }
0xb0: {  	[dreg:$0x4] =	wrdreg $0xC0  }
0xb1: {  	_ =	task [dreg:s13], $0x5FFFF  }
0xb2: {  	[dreg:$0x1] =	wrdreg $0xFFFFFFFF  }
0xb3: {  	[dreg:$0x0] =	wrdreg $0x60  }
0xb4: {  	[dreg:$0x2] =	wrdreg s2  }
0xb5: {  	[dreg:$0x3] =	wrdreg s19  }
0xb6: {  	[dreg:$0x4] =	wrdreg s4  }
0xb7: {  	[dreg:$0x5] =	wrdreg s5  }
0xb8: {  	[dreg:$0x6] =	wrdreg s6  }
0xb9: {  	[dreg:$0x7] =	wrdreg s7  }
0xba: {  	[dreg:$0x8] =	wrdreg s8  }
0xbb: {  	[dreg:$0x9] =	wrdreg $0x9  }
0xbc: {  	_ =	task.clear_ibuf [dreg:s13], $0xAFFFF;
	_ =	strace $0x90000046  }
0xbd: {  	s29 =	simm.s32 $0x9;
	_ =	strace $0x80000048  }
0xbe: {  	_ =	swait.ge [sflag:s29], $0x1  }
0xbf: {  	[sflag:s29] =	ssyncadd.s32 $0xFFFFFFFF  }
0xc0: {  	_ =	strace $0x90000048  }
0xc1: {  	_ =	sfence  }
0xc2: {  	s30 =	sld [smem:$0x0];
	_ =	sdelay $0x2  }
0xc3: {  	s31 =	sshll.u32 s1, $0xD;
	s1 =	sshrl.u32 s1, $0x2  }
0xc4: {  	s3 =	sand.u32 $0x4000, s31;
	s1 =	sadd.s32 s1, s30  }
0xc5: {  	s0 =	sor.u32 s3, s0;
	s1 =	sshll.u32 s1, $0x11  }
0xc6: {  	s0 =	sor.u32 s1, s0  }
0xc7: {  	s0 =	sadd.s32 $0x8F2B, s0  }
0xc8: {  	[sflag:s0] =	ssyncadd.remote.s32 $0x1  }
0xc9: {  	_ =	sfence.sel $0xFFFF  }
0xca: {  	[dreg:$0x0] =	wrdreg $0xFFFFFFFF;
	(pc) =	sbr.abs _section_cstart, $3  }
0xcb: {  	[dreg:$0x1] =	wrdreg $0xFFFFFFFF  }
0xcc: {  	_ =	task.clear_ibuf [dreg:s13], $0x2FFFF;
	_ =	strace $0x9FFFFFFF  }
0xcd: {  	(tm) =	ssettm $0x7FFFFFFF  }
tec
execute0_lowered:
.L_overlay_start_1:
0x0: {  	(tag) =	ssettag $0x1  }
0x1: {  	s0 =	rddreg [dreg:$0x0]  }
0x2: {  	s3 =	rddreg [dreg:$0x1]  }
0x3: {  	s1 =	rddreg [dreg:$0x2]  }
0x4: {  	s2 =	rddreg [dreg:$0x3]  }
0x5: {  	s4 =	rddreg [dreg:$0x5]  }
0x6: {  	s5 =	rddreg [dreg:$0x6];
	s6 =	simm.s32 $0x0;
	s7 =	srdreg.scid  }
0x7: {  	s9 =	stileid.u32;
	s11 =	simm.s32 $0x200;
	s12 =	simm.s32 $0x1  }
0x8: {  	s13 =	simm.s32 $0x2;
	s14 =	simm.s32 $0x80;
	s15 =	simm.s32 $0x400  }
0x9: {  	s16 =	simm.s32 $0x8400;
	s17 =	simm.s32 $0x10400;
	s18 =	simm.s32 $0x10600  }
0xa: {  	s19 =	simm.s32 $0x3;
	s20 =	simm.s32 $0x4400;
	s21 =	simm.s32 $0x280  }
0xb: {  	s22 =	simm.s32 $0xC400;
	s23 =	simm.s32 $0x10800;
	s24 =	simm.s32 $0x100  }
0xc: {  	s25 =	simm.s32 $0x300;
	s26 =	simm.s32 $0x180;
	s28 =	simm.s32 $0x380  }
0xd: {  	s29 =	simm.s32 $0x4;
	s30 =	simm.s32 $0x0;
	s7 =	sand.u32 $0x1, s7  }
0xe: {  	s9 =	sshll.u32 s9, $0x7;
	s8 =	ssub.s32 $0x2, s7;
	s7 =	sshll.u32 s7, $0x6  }
0xf: {  	[smem:$0x7FF] =	sst s6;
	s10 =	sshrl.u32 s8, $0x1;
	s9 =	sor.u32 s7, s9  }
0x10: {  	_ =	strace $0x80000047;
	s10 =	ssub.s32 s8, s10;
	s7 =	sadd.s32 s0, s9  }
0x11: {  	s8 =	sadd.s32 s3, s9;
	s9 =	sadd.s32 s5, s9;
	s10 =	smax.u32 s10, $0x1  }
.LBB2_1:
0x12: {  	[tilespmem:s6], [sflag:$0x1] =	stream.linear.gather [hbm4b:s7+s6], $0x200, $0x38;
	[tilespmem:$0x10A00] =	vst v63  }
0x13: {  	_ = 	snop  }
0x14: {  	[tilespmem:s11], [sflag:$0x2] =	stream.linear.gather [hbm4b:s8+s6], $0x200, $0x38;
	[tilespmem:$0x10A00] =	vst v63  }
0x15: {  	_ =	swait.ge [sflag:s12], $0x200  }
0x16: {  	[sflag:s12] =	ssyncset.done $0x0  }
0x17: {  	[sflag:s12] =	ssyncadd.s32 $0xFFFFFE00  }
0x18: {  	_ =	swait.ge [sflag:s13], $0x200  }
0x19: {  	[sflag:s13] =	ssyncset.done $0x0  }
0x1a: {  	[sflag:s13] =	ssyncadd.s32 $0xFFFFFE00  }
0x1b: {  	[tilespmem:s15], [sflag:$0x1] =	stream.indirect.gather [hbm4b:s1+s14], $0x80, s6, s14, $0xb8;
	[tilespmem:$0x10A00] =	vst v63  }
0x1c: {  	_ = 	snop  }
0x1d: {  	[tilespmem:s16], [sflag:$0x1] =	stream.indirect.gather [hbm4b:s2+s14], $0x80, s11, s14, $0xb8;
	[tilespmem:$0x10A00] =	vst v63  }
0x1e: {  	s0 =	rddreg [dreg:$0x4]  }
0x1f: {  	[tilespmem:s17], [sflag:$0x3] =	stream.indirect.gather [hbm4b:s0+s11], $0x1, s6, s11, $0xb8;
	[tilespmem:$0x10A00] =	vst v63  }
0x20: {  	_ = 	snop  }
0x21: {  	[tilespmem:s18], [sflag:$0x3] =	stream.indirect.gather [hbm4b:s4+s11], $0x1, s11, s11, $0xb8;
	[tilespmem:$0x10A00] =	vst v63  }
0x22: {  	_ =	swait.ge [sflag:s19], $0x200  }
0x23: {  	[sflag:s19] =	ssyncset.done $0x0  }
0x24: {  	[sflag:s19] =	ssyncadd.s32 $0xFFFFFE00  }
0x25: {  	_ =	swait.ge [sflag:s19], $0x200  }
0x26: {  	[sflag:s19] =	ssyncset.done $0x0  }
0x27: {  	s0 =	simm.s32 $0x0;
	[sflag:s19] =	ssyncadd.s32 $0xFFFFFE00  }
0x28: {  	v0 =	vld [tilespmem:s0+$0x10400]  }
0x29: {  	s3 =	simm.s32 $0x40;
	v1 =	vld [tilespmem:s0+$0x10600]  }
.LBB2_2:
0x2a: {  	_ = 	snop  }
0x2b: {  	p0 =	sne.s32 s3, $0x7C0  }
.Ltmp0:
0x2c: {  	_ = 	snop;
	(pc) =	sbr.rel @p0 .LBB2_2-.Ltmp0, $4  }
0x2d: {  	_ = 	snop  }
0x2e: {  	s5 =	sshra.s32 s3, $0x2;
	v2 =	vadd.f32 v1, v0  }
0x2f: {  	v0 =	vld [tilespmem:s5+$0x10400]  }
0x30: {  	s3 =	sadd.s32 $0x40, s3;
	v1 =	vld [tilespmem:s5+$0x10600];
	[tilespmem:s0+$0x10800] =	vst v2;
	s0 =	smov.u32 s5  }
0x31: {  	_ =	sdelay $0x3  }
0x32: {  	v0 =	vadd.f32 v1, v0;
	_ =	sdelay $0x1  }
0x33: {  	[tilespmem:s0+$0x10800] =	vst v0  }
0x34: {  	[tilespmem:s20], [sflag:$0x2] =	stream.indirect.gather [hbm4b:s1+s14], $0x80, s14, s14, $0xb8;
	[tilespmem:$0x10A00] =	vst v63  }
0x35: {  	_ = 	snop  }
0x36: {  	[tilespmem:s22], [sflag:$0x2] =	stream.indirect.gather [hbm4b:s2+s14], $0x80, s21, s14, $0xb8;
	[tilespmem:$0x10A00] =	vst v63  }
0x37: {  	_ =	swait.ge [sflag:s12], $0x4000  }
0x38: {  	[sflag:s12] =	ssyncset.done $0x0  }
0x39: {  	[sflag:s12] =	ssyncadd.s32 $0xFFFFC000  }
0x3a: {  	_ =	swait.ge [sflag:s12], $0x4000  }
0x3b: {  	[sflag:s12] =	ssyncset.done $0x0  }
0x3c: {  	s5 =	simm.s32 $0x440;
	[sflag:s12] =	ssyncadd.s32 $0xFFFFC000  }
0x3d: {  	s31 =	simm.s32 $0x8440;
	v0 =	vld [tilespmem:s5+$0x20]  }
0x3e: {  	v1 =	vld [tilespmem:s31+$0x20]  }
0x3f: {  	v2 =	vld [tilespmem:s5+$0x0]  }
0x40: {  	v3 =	vld [tilespmem:s31+$0x0]  }
0x41: {  	v4 =	vld [tilespmem:s31+$0xFFFFFFC0]  }
0x42: {  	v5 =	vld [tilespmem:s5+$0xFFFFFFC0]  }
0x43: {  	v6 =	vld [tilespmem:s5+$0xFFFFFFE0]  }
0x44: {  	v8 =	vld [tilespmem:s31+$0xFFFFFFE0]  }
0x45: {  	v7 =	vld [tilespmem:s5+$0xFFFFFFD0]  }
0x46: {  	v9 =	vld [tilespmem:s31+$0xFFFFFFD0]  }
0x47: {  	v10 =	vld [tilespmem:s5+$0xFFFFFFF0]  }
0x48: {  	s3 =	simm.s32 $0x1;
	s0 =	simm.s32 $0x0;
	v11 =	vld [tilespmem:s31+$0xFFFFFFF0]  }
.LBB2_4:
0x49: {  	p0 =	sne.s32 s3, $0x7F;
	v12 =	vld [tilespmem:s5+$0x10]  }
0x4a: {  	v13 =	vld [tilespmem:s31+$0x10]  }
0x4b: {  	v14 =	vld [tilespmem:s5+$0x30]  }
0x4c: {  	v4 =	vmul.f32 v4, v5;
	v5 =	vmul.f32 v8, v6;
	v6 =	vld [tilespmem:s31+$0x30]  }
0x4d: {  	v7 =	vmul.f32 v9, v7;
	v8 =	vmul.f32 v11, v10  }
0x4e: {  	v2 =	vmul.f32 v3, v2  }
0x4f: {  	v3 =	vadd.f32 v5, v4;
	v4 =	vadd.f32 v8, v7;
	v5 =	vmul.f32 v13, v12  }
0x50: {  	v0 =	vmul.f32 v1, v0  }
0x51: {  	v1 =	vadd.f32 v2, v3;
	v2 =	vadd.f32 v5, v4;
	v3 =	vmul.f32 v6, v14  }
0x52: {  	v4 =	vmov s0;
	s0 =	smov.u32 s3  }
0x53: {  	v0 =	vadd.f32 v0, v1;
	v1 =	vadd.f32 v3, v2;
	_ =	sdelay $0x1  }
0x54: {  	v0 =	vadd.f32 v1, v0;
	_ =	sdelay $0x1  }
0x55: {  	s5 =	sadd.s32 $0x80, s5;
	[tilespmem:v4+s23+$0x0] =	vst.idx.add.f32.msk $0xffff, v0  }
0x56: {  	s31 =	sadd.s32 $0x80, s31;
	v0 =	vld [tilespmem:s5+$0x20]  }
0x57: {  	v1 =	vld [tilespmem:s31+$0x20]  }
0x58: {  	v2 =	vld [tilespmem:s5+$0x0]  }
0x59: {  	v3 =	vld [tilespmem:s31+$0x0]  }
0x5a: {  	v4 =	vld [tilespmem:s31+$0xFFFFFFC0]  }
0x5b: {  	v5 =	vld [tilespmem:s5+$0xFFFFFFC0]  }
0x5c: {  	v6 =	vld [tilespmem:s5+$0xFFFFFFE0]  }
.Ltmp1:
0x5d: {  	v8 =	vld [tilespmem:s31+$0xFFFFFFE0];
	(pc) =	sbr.rel @p0 .LBB2_4-.Ltmp1, $4  }
0x5e: {  	v7 =	vld [tilespmem:s5+$0xFFFFFFD0]  }
0x5f: {  	v9 =	vld [tilespmem:s31+$0xFFFFFFD0]  }
0x60: {  	v10 =	vld [tilespmem:s5+$0xFFFFFFF0]  }
0x61: {  	s3 =	sadd.s32 $0x1, s3;
	v11 =	vld [tilespmem:s31+$0xFFFFFFF0]  }
0x62: {  	v12 =	vld [tilespmem:s5+$0x10]  }
0x63: {  	v13 =	vld [tilespmem:s31+$0x10]  }
0x64: {  	v14 =	vld [tilespmem:s5+$0x30]  }
0x65: {  	v4 =	vmul.f32 v4, v5;
	v5 =	vmul.f32 v8, v6;
	v6 =	vld [tilespmem:s31+$0x30]  }
0x66: {  	v7 =	vmul.f32 v9, v7;
	v8 =	vmul.f32 v11, v10  }
0x67: {  	v2 =	vmul.f32 v3, v2  }
0x68: {  	v3 =	vadd.f32 v5, v4;
	v5 =	vmul.f32 v13, v12;
	v4 =	vadd.f32 v8, v7  }
0x69: {  	v0 =	vmul.f32 v1, v0  }
0x6a: {  	v1 =	vadd.f32 v2, v3;
	v3 =	vmul.f32 v6, v14;
	v2 =	vadd.f32 v5, v4  }
0x6b: {  	v4 =	vmov s0  }
0x6c: {  	v0 =	vadd.f32 v0, v1;
	v1 =	vadd.f32 v3, v2;
	_ =	sdelay $0x1  }
0x6d: {  	v0 =	vadd.f32 v1, v0;
	_ =	sdelay $0x1  }
0x6e: {  	s31 =	simm.s32 $0x80;
	[tilespmem:v4+s23+$0x0] =	vst.idx.add.f32.msk $0xffff, v0  }
0x6f: {  	[tilespmem:s15], [sflag:$0x1] =	stream.indirect.gather [hbm4b:s1+s31], $0x80, s24, s31, $0xb8;
	[tilespmem:$0x10A00] =	vst v63  }
0x70: {  	_ = 	snop  }
0x71: {  	[tilespmem:s16], [sflag:$0x1] =	stream.indirect.gather [hbm4b:s2+s31], $0x80, s25, s31, $0xb8;
	[tilespmem:$0x10A00] =	vst v63  }
0x72: {  	_ =	swait.ge [sflag:s13], $0x4000  }
0x73: {  	[sflag:s13] =	ssyncset.done $0x0  }
0x74: {  	[sflag:s13] =	ssyncadd.s32 $0xFFFFC000  }
0x75: {  	_ =	swait.ge [sflag:s13], $0x4000  }
0x76: {  	[sflag:s13] =	ssyncset.done $0x0  }
0x77: {  	s5 =	simm.s32 $0x4440;
	[sflag:s13] =	ssyncadd.s32 $0xFFFFC000  }
0x78: {  	s0 =	simm.s32 $0xC440;
	v0 =	vld [tilespmem:s5+$0x20]  }
0x79: {  	v1 =	vld [tilespmem:s0+$0x20]  }
0x7a: {  	v2 =	vld [tilespmem:s5+$0x0]  }
0x7b: {  	v3 =	vld [tilespmem:s0+$0x0]  }
0x7c: {  	v4 =	vld [tilespmem:s0+$0xFFFFFFC0]  }
0x7d: {  	v5 =	vld [tilespmem:s5+$0xFFFFFFC0]  }
0x7e: {  	v6 =	vld [tilespmem:s5+$0xFFFFFFE0]  }
0x7f: {  	v8 =	vld [tilespmem:s0+$0xFFFFFFE0]  }
0x80: {  	v7 =	vld [tilespmem:s5+$0xFFFFFFD0]  }
0x81: {  	v9 =	vld [tilespmem:s0+$0xFFFFFFD0]  }
0x82: {  	v10 =	vld [tilespmem:s5+$0xFFFFFFF0]  }
0x83: {  	s3 =	simm.s32 $0x81;
	v11 =	vld [tilespmem:s0+$0xFFFFFFF0]  }
.LBB2_6:
0x84: {  	p0 =	sne.s32 s3, $0xFF;
	v12 =	vld [tilespmem:s5+$0x10]  }
0x85: {  	v13 =	vld [tilespmem:s0+$0x10]  }
0x86: {  	v14 =	vld [tilespmem:s5+$0x30]  }
0x87: {  	v4 =	vmul.f32 v4, v5;
	v5 =	vmul.f32 v8, v6;
	v6 =	vld [tilespmem:s0+$0x30]  }
0x88: {  	v7 =	vmul.f32 v9, v7;
	v8 =	vmul.f32 v11, v10  }
0x89: {  	v2 =	vmul.f32 v3, v2  }
0x8a: {  	v3 =	vadd.f32 v5, v4;
	v4 =	vadd.f32 v8, v7;
	v5 =	vmul.f32 v13, v12  }
0x8b: {  	v0 =	vmul.f32 v1, v0  }
0x8c: {  	v1 =	vadd.f32 v2, v3;
	v2 =	vadd.f32 v5, v4;
	v3 =	vmul.f32 v6, v14  }
0x8d: {  	v4 =	vmov s31;
	s31 =	smov.u32 s3  }
0x8e: {  	v0 =	vadd.f32 v0, v1;
	v1 =	vadd.f32 v3, v2;
	_ =	sdelay $0x1  }
0x8f: {  	v0 =	vadd.f32 v1, v0;
	_ =	sdelay $0x1  }
0x90: {  	s5 =	sadd.s32 $0x80, s5;
	[tilespmem:v4+s23+$0x0] =	vst.idx.add.f32.msk $0xffff, v0  }
0x91: {  	s0 =	sadd.s32 $0x80, s0;
	v0 =	vld [tilespmem:s5+$0x20]  }
0x92: {  	v1 =	vld [tilespmem:s0+$0x20]  }
0x93: {  	v2 =	vld [tilespmem:s5+$0x0]  }
0x94: {  	v3 =	vld [tilespmem:s0+$0x0]  }
0x95: {  	v4 =	vld [tilespmem:s0+$0xFFFFFFC0]  }
0x96: {  	v5 =	vld [tilespmem:s5+$0xFFFFFFC0]  }
0x97: {  	v6 =	vld [tilespmem:s5+$0xFFFFFFE0]  }
.Ltmp2:
0x98: {  	v8 =	vld [tilespmem:s0+$0xFFFFFFE0];
	(pc) =	sbr.rel @p0 .LBB2_6-.Ltmp2, $4  }
0x99: {  	v7 =	vld [tilespmem:s5+$0xFFFFFFD0]  }
0x9a: {  	v9 =	vld [tilespmem:s0+$0xFFFFFFD0]  }
0x9b: {  	v10 =	vld [tilespmem:s5+$0xFFFFFFF0]  }
0x9c: {  	s3 =	sadd.s32 $0x1, s3;
	v11 =	vld [tilespmem:s0+$0xFFFFFFF0]  }
0x9d: {  	v12 =	vld [tilespmem:s5+$0x10]  }
0x9e: {  	v13 =	vld [tilespmem:s0+$0x10]  }
0x9f: {  	v14 =	vld [tilespmem:s5+$0x30]  }
0xa0: {  	v4 =	vmul.f32 v4, v5;
	v5 =	vmul.f32 v8, v6;
	v6 =	vld [tilespmem:s0+$0x30]  }
0xa1: {  	v7 =	vmul.f32 v9, v7;
	v8 =	vmul.f32 v11, v10  }
0xa2: {  	v2 =	vmul.f32 v3, v2  }
0xa3: {  	v3 =	vadd.f32 v5, v4;
	v5 =	vmul.f32 v13, v12;
	v4 =	vadd.f32 v8, v7  }
0xa4: {  	v0 =	vmul.f32 v1, v0  }
0xa5: {  	v1 =	vadd.f32 v2, v3;
	v3 =	vmul.f32 v6, v14;
	v2 =	vadd.f32 v5, v4  }
0xa6: {  	v4 =	vmov s31  }
0xa7: {  	v0 =	vadd.f32 v0, v1;
	v1 =	vadd.f32 v3, v2;
	_ =	sdelay $0x1  }
0xa8: {  	v0 =	vadd.f32 v1, v0;
	_ =	sdelay $0x1  }
0xa9: {  	[tilespmem:v4+s23+$0x0] =	vst.idx.add.f32.msk $0xffff, v0  }
0xaa: {  	[tilespmem:s20], [sflag:$0x2] =	stream.indirect.gather [hbm4b:s1+s14], $0x80, s26, s14, $0xb8;
	[tilespmem:$0x10A00] =	vst v63  }
0xab: {  	_ = 	snop  }
0xac: {  	[tilespmem:s22], [sflag:$0x2] =	stream.indirect.gather [hbm4b:s2+s14], $0x80, s28, s14, $0xb8;
	[tilespmem:$0x10A00] =	vst v63  }
0xad: {  	_ =	swait.ge [sflag:s12], $0x4000  }
0xae: {  	[sflag:s12] =	ssyncset.done $0x0  }
0xaf: {  	[sflag:s12] =	ssyncadd.s32 $0xFFFFC000  }
0xb0: {  	_ =	swait.ge [sflag:s12], $0x4000  }
0xb1: {  	[sflag:s12] =	ssyncset.done $0x0  }
0xb2: {  	s5 =	simm.s32 $0x440;
	[sflag:s12] =	ssyncadd.s32 $0xFFFFC000  }
0xb3: {  	s31 =	simm.s32 $0x8440;
	v0 =	vld [tilespmem:s5+$0x20]  }
0xb4: {  	v1 =	vld [tilespmem:s31+$0x20]  }
0xb5: {  	v2 =	vld [tilespmem:s5+$0x0]  }
0xb6: {  	v3 =	vld [tilespmem:s31+$0x0]  }
0xb7: {  	v4 =	vld [tilespmem:s31+$0xFFFFFFC0]  }
0xb8: {  	v5 =	vld [tilespmem:s5+$0xFFFFFFC0]  }
0xb9: {  	v6 =	vld [tilespmem:s5+$0xFFFFFFE0]  }
0xba: {  	v8 =	vld [tilespmem:s31+$0xFFFFFFE0]  }
0xbb: {  	v7 =	vld [tilespmem:s5+$0xFFFFFFD0]  }
0xbc: {  	v9 =	vld [tilespmem:s31+$0xFFFFFFD0]  }
0xbd: {  	v10 =	vld [tilespmem:s5+$0xFFFFFFF0]  }
0xbe: {  	s0 =	simm.s32 $0x100;
	s3 =	simm.s32 $0x101;
	v11 =	vld [tilespmem:s31+$0xFFFFFFF0]  }
.LBB2_8:
0xbf: {  	p0 =	sne.s32 s3, $0x17F;
	v12 =	vld [tilespmem:s5+$0x10]  }
0xc0: {  	v13 =	vld [tilespmem:s31+$0x10]  }
0xc1: {  	v14 =	vld [tilespmem:s5+$0x30]  }
0xc2: {  	v4 =	vmul.f32 v4, v5;
	v5 =	vmul.f32 v8, v6;
	v6 =	vld [tilespmem:s31+$0x30]  }
0xc3: {  	v7 =	vmul.f32 v9, v7;
	v8 =	vmul.f32 v11, v10  }
0xc4: {  	v2 =	vmul.f32 v3, v2  }
0xc5: {  	v3 =	vadd.f32 v5, v4;
	v4 =	vadd.f32 v8, v7;
	v5 =	vmul.f32 v13, v12  }
0xc6: {  	v0 =	vmul.f32 v1, v0  }
0xc7: {  	v1 =	vadd.f32 v2, v3;
	v2 =	vadd.f32 v5, v4;
	v3 =	vmul.f32 v6, v14  }
0xc8: {  	v4 =	vmov s0;
	s0 =	smov.u32 s3  }
0xc9: {  	v0 =	vadd.f32 v0, v1;
	v1 =	vadd.f32 v3, v2;
	_ =	sdelay $0x1  }
0xca: {  	v0 =	vadd.f32 v1, v0;
	_ =	sdelay $0x1  }
0xcb: {  	s5 =	sadd.s32 $0x80, s5;
	[tilespmem:v4+s23+$0x0] =	vst.idx.add.f32.msk $0xffff, v0  }
0xcc: {  	s31 =	sadd.s32 $0x80, s31;
	v0 =	vld [tilespmem:s5+$0x20]  }
0xcd: {  	v1 =	vld [tilespmem:s31+$0x20]  }
0xce: {  	v2 =	vld [tilespmem:s5+$0x0]  }
0xcf: {  	v3 =	vld [tilespmem:s31+$0x0]  }
0xd0: {  	v4 =	vld [tilespmem:s31+$0xFFFFFFC0]  }
0xd1: {  	v5 =	vld [tilespmem:s5+$0xFFFFFFC0]  }
0xd2: {  	v6 =	vld [tilespmem:s5+$0xFFFFFFE0]  }
.Ltmp3:
0xd3: {  	v8 =	vld [tilespmem:s31+$0xFFFFFFE0];
	(pc) =	sbr.rel @p0 .LBB2_8-.Ltmp3, $4  }
0xd4: {  	v7 =	vld [tilespmem:s5+$0xFFFFFFD0]  }
0xd5: {  	v9 =	vld [tilespmem:s31+$0xFFFFFFD0]  }
0xd6: {  	v10 =	vld [tilespmem:s5+$0xFFFFFFF0]  }
0xd7: {  	s3 =	sadd.s32 $0x1, s3;
	v11 =	vld [tilespmem:s31+$0xFFFFFFF0]  }
0xd8: {  	v12 =	vld [tilespmem:s5+$0x10]  }
0xd9: {  	v13 =	vld [tilespmem:s31+$0x10]  }
0xda: {  	v14 =	vld [tilespmem:s5+$0x30]  }
0xdb: {  	v4 =	vmul.f32 v4, v5;
	v5 =	vmul.f32 v8, v6;
	v6 =	vld [tilespmem:s31+$0x30]  }
0xdc: {  	v7 =	vmul.f32 v9, v7;
	v8 =	vmul.f32 v11, v10  }
0xdd: {  	v2 =	vmul.f32 v3, v2  }
0xde: {  	v3 =	vadd.f32 v5, v4;
	v5 =	vmul.f32 v13, v12;
	v4 =	vadd.f32 v8, v7  }
0xdf: {  	v0 =	vmul.f32 v1, v0  }
0xe0: {  	v1 =	vadd.f32 v2, v3;
	v3 =	vmul.f32 v6, v14;
	v2 =	vadd.f32 v5, v4  }
0xe1: {  	v4 =	vmov s0  }
0xe2: {  	v0 =	vadd.f32 v0, v1;
	v1 =	vadd.f32 v3, v2;
	_ =	sdelay $0x1  }
0xe3: {  	v0 =	vadd.f32 v1, v0;
	_ =	sdelay $0x1  }
0xe4: {  	[tilespmem:v4+s23+$0x0] =	vst.idx.add.f32.msk $0xffff, v0  }
0xe5: {  	_ =	swait.ge [sflag:s13], $0x4000  }
0xe6: {  	[sflag:s13] =	ssyncset.done $0x0  }
0xe7: {  	[sflag:s13] =	ssyncadd.s32 $0xFFFFC000  }
0xe8: {  	_ =	swait.ge [sflag:s13], $0x4000  }
0xe9: {  	[sflag:s13] =	ssyncset.done $0x0  }
0xea: {  	s5 =	simm.s32 $0x4440;
	[sflag:s13] =	ssyncadd.s32 $0xFFFFC000  }
0xeb: {  	s31 =	simm.s32 $0xC440;
	v0 =	vld [tilespmem:s5+$0x20]  }
0xec: {  	v1 =	vld [tilespmem:s31+$0x20]  }
0xed: {  	v2 =	vld [tilespmem:s5+$0x0]  }
0xee: {  	v3 =	vld [tilespmem:s31+$0x0]  }
0xef: {  	v4 =	vld [tilespmem:s31+$0xFFFFFFC0]  }
0xf0: {  	v5 =	vld [tilespmem:s5+$0xFFFFFFC0]  }
0xf1: {  	v6 =	vld [tilespmem:s5+$0xFFFFFFE0]  }
0xf2: {  	v8 =	vld [tilespmem:s31+$0xFFFFFFE0]  }
0xf3: {  	v7 =	vld [tilespmem:s5+$0xFFFFFFD0]  }
0xf4: {  	v9 =	vld [tilespmem:s31+$0xFFFFFFD0]  }
0xf5: {  	v10 =	vld [tilespmem:s5+$0xFFFFFFF0]  }
0xf6: {  	s3 =	simm.s32 $0x181;
	s0 =	simm.s32 $0x180;
	v11 =	vld [tilespmem:s31+$0xFFFFFFF0]  }
.LBB2_10:
0xf7: {  	p0 =	sne.s32 s3, $0x1FF;
	v12 =	vld [tilespmem:s5+$0x10]  }
0xf8: {  	v13 =	vld [tilespmem:s31+$0x10]  }
0xf9: {  	v14 =	vld [tilespmem:s5+$0x30]  }
0xfa: {  	v4 =	vmul.f32 v4, v5;
	v5 =	vmul.f32 v8, v6;
	v6 =	vld [tilespmem:s31+$0x30]  }
0xfb: {  	v7 =	vmul.f32 v9, v7;
	v8 =	vmul.f32 v11, v10  }
0xfc: {  	v2 =	vmul.f32 v3, v2  }
0xfd: {  	v3 =	vadd.f32 v5, v4;
	v4 =	vadd.f32 v8, v7;
	v5 =	vmul.f32 v13, v12  }
0xfe: {  	v0 =	vmul.f32 v1, v0  }
0xff: {  	v1 =	vadd.f32 v2, v3;
	v2 =	vadd.f32 v5, v4;
	v3 =	vmul.f32 v6, v14  }
0x100: {  	v4 =	vmov s0;
	s0 =	smov.u32 s3  }
0x101: {  	v0 =	vadd.f32 v0, v1;
	v1 =	vadd.f32 v3, v2;
	_ =	sdelay $0x1  }
0x102: {  	v0 =	vadd.f32 v1, v0;
	_ =	sdelay $0x1  }
0x103: {  	s5 =	sadd.s32 $0x80, s5;
	[tilespmem:v4+s23+$0x0] =	vst.idx.add.f32.msk $0xffff, v0  }
0x104: {  	s31 =	sadd.s32 $0x80, s31;
	v0 =	vld [tilespmem:s5+$0x20]  }
0x105: {  	v1 =	vld [tilespmem:s31+$0x20]  }
0x106: {  	v2 =	vld [tilespmem:s5+$0x0]  }
0x107: {  	v3 =	vld [tilespmem:s31+$0x0]  }
0x108: {  	v4 =	vld [tilespmem:s31+$0xFFFFFFC0]  }
0x109: {  	v5 =	vld [tilespmem:s5+$0xFFFFFFC0]  }
0x10a: {  	v6 =	vld [tilespmem:s5+$0xFFFFFFE0]  }
.Ltmp4:
0x10b: {  	v8 =	vld [tilespmem:s31+$0xFFFFFFE0];
	(pc) =	sbr.rel @p0 .LBB2_10-.Ltmp4, $4  }
0x10c: {  	v7 =	vld [tilespmem:s5+$0xFFFFFFD0]  }
0x10d: {  	v9 =	vld [tilespmem:s31+$0xFFFFFFD0]  }
0x10e: {  	v10 =	vld [tilespmem:s5+$0xFFFFFFF0]  }
0x10f: {  	s3 =	sadd.s32 $0x1, s3;
	v11 =	vld [tilespmem:s31+$0xFFFFFFF0]  }
0x110: {  	v12 =	vld [tilespmem:s5+$0x10]  }
0x111: {  	v13 =	vld [tilespmem:s31+$0x10]  }
0x112: {  	v14 =	vld [tilespmem:s5+$0x30]  }
0x113: {  	v4 =	vmul.f32 v4, v5;
	v53 =	vmul.f32 v8, v6;
	v54 =	vld [tilespmem:s31+$0x30]  }
0x114: {  	v7 =	vmul.f32 v9, v7;
	v55 =	vmul.f32 v11, v10  }
0x115: {  	v2 =	vmul.f32 v3, v2  }
0x116: {  	v56 =	vadd.f32 v53, v4;
	v58 =	vmul.f32 v13, v12;
	v57 =	vadd.f32 v55, v7  }
0x117: {  	v0 =	vmul.f32 v1, v0  }
0x118: {  	v59 =	vadd.f32 v2, v56;
	v61 =	vmul.f32 v54, v14;
	v60 =	vadd.f32 v58, v57  }
0x119: {  	v62 =	vmov s0  }
0x11a: {  	v0 =	vadd.f32 v0, v59;
	v63 =	vadd.f32 v61, v60;
	_ =	sdelay $0x1  }
0x11b: {  	s30 =	sadd.s32 $0x1, s30;
	v0 =	vadd.f32 v63, v0  }
0x11c: {  	p0 =	sne.s32 s30, s10  }
.Ltmp5:
0x11d: {  	[tilespmem:v62+s23+$0x0] =	vst.idx.add.f32.msk $0xffff, v0;
	(pc) =	sbr.rel @p0 .LBB2_1-.Ltmp5, $4  }
0x11e: {  	[hbm4b:s9+s6] =	stream.linear.scatter [tilespmem:s23], [sflag:$0x4], $0x200, $0x38;
	[tilespmem:$0x10A00] =	vst v63  }
0x11f: {  	_ =	swait.ge [sflag:s29], $0x200  }
0x120: {  	[sflag:s29] =	ssyncset.done $0x0  }
0x121: {  	[sflag:s29] =	ssyncadd.s32 $0xFFFFFE00  }
0x122: {  	_ =	sfence.sel $0x180000  }
0x123: {  	[bflag:$0x0] =	sbarrier.arrive $0xFFFF  }
0x124: {  	_ =	strace $0x90000047  }
0x125: {  	s0 =	stileid.u32;
	[bflag:$0x2] =	sbarrier.arrive $0xFFFF  }
0x126: {  	p0 =	sne.s32 s0, $0x0;
	s0 =	rddreg [dreg:$0x7]  }
0x127: {  	s0 =	sadd.s32 @!p0 $0x100000, s0  }
0x128: {  	[sflag:s0] =	ssyncadd.tile.s32 @!p0 $0x1;
	_ =	shalt  }
.Lfunc_end2:
_tile_overlayer_lowered:
.L_overlay_start_2:
0x129: {  	(tag) =	ssettag $0x2  }
0x12a: {  	s0 =	rddreg [dreg:$0x0];
	s2 =	stileid.u32  }
0x12b: {  	s1 =	rddreg [dreg:$0x1];
	p0 =	sne.s32 s2, $0x0  }
0x12c: {  	s3 =	rddreg [dreg:$0x2];
	[bflag:$0x3] =	sbarrier.arrive $0xFFFF;
	s2 =	simm.s32 @!p0 $0x1C04  }
0x12d: {  	[timem:s3], [sflag:s2] =	dma.local @!p0 [hbm:s0], s1  }
0x12e: {  	s0 =	simm.s32 @!p0 $0x4  }
0x12f: {  	_ =	swait.ge @!p0 [sflag:s0], s1  }
0x130: {  	s1 =	ssub.s32 @!p0 $0x0, s1;
	[sflag:s0] =	ssyncset.done @!p0 $0x0  }
0x131: {  	[sflag:s0] =	ssyncadd.s32 @!p0 s1  }
0x132: {  	[bflag:$0x3] =	sbarrier.arrive $0xFFFF  }
0x133: {  	_ =	shalt  }

</sc_bundles>
